<compile_context>
chip_gen: v7x
topology: tpu7x:2x2x1
jax: 0.10.2.dev20260603
libtpu: 0.0.44.dev20260713+nightly
codegen_flags: <defaults>
</compile_context>

<pallas_src>
import jax
import jax.numpy as jnp
from jax import lax
from jax.experimental import pallas as pl

N_ATOMS = 128
N_FACTORS = 32
N_RBF = 32
NK = N_ATOMS - 1
NKP = N_ATOMS
NROWS = N_ATOMS * NKP // 4
PL = 128


def _ssp(x):
    return jnp.maximum(x, 0.0) + jnp.log1p(jnp.exp(-jnp.abs(x))) - jnp.log(2.0)


def _tile4(t):
    t4 = jnp.concatenate([t, t, t, t], axis=1)
    return jnp.broadcast_to(t4[:, None, :],
                            (N_ATOMS, 32, PL)).reshape(NROWS, PL)


def _packed(t):
    r2 = lax.broadcasted_iota(jnp.int32, (32, N_ATOMS), 0)
    j = lax.broadcasted_iota(jnp.int32, (32, N_ATOMS), 1)
    parts = [jnp.dot((j == 4 * r2 + g).astype(jnp.float32), t,
                     precision=lax.Precision.HIGHEST,
                     preferred_element_type=jnp.float32) for g in range(4)]
    return jnp.concatenate(parts, axis=1)


def _rollp(p):
    low = jnp.concatenate([p[1:, 0:32], p[:1, 0:32]], axis=0)
    return jnp.concatenate([p[:, 32:PL], low], axis=1)


def _patt(p):
    return jnp.broadcast_to(p[None, :, :],
                            (N_ATOMS, 32, PL)).reshape(NROWS, PL)


def _body(f_ref, x_ref,
          fw1_ref, fb1_ref, fw2_ref, fb2_ref,
          pw1_ref, pb1_ref, pw2_ref, pb2_ref,
          ew1_ref, eb1_ref, ew2_ref, eb2_ref,
          ow1_ref, ob1_ref, ow2_ref, ob2_ref,
          out_ref, v_ref):
    r_io = lax.broadcasted_iota(jnp.int32, (NROWS, PL), 0)
    l_io = lax.broadcasted_iota(jnp.int32, (NROWS, PL), 1)
    k_id = 4 * (r_io & 31) + (l_io >> 5)
    i_id = r_io >> 5
    mask = k_id < i_id
    valid = k_id < NK

    f2 = f_ref[0]
    w1 = _ssp(jnp.dot(f2, fw1_ref[...], preferred_element_type=jnp.float32)
              + fb1_ref[...])
    W = (jnp.dot(w1, fw2_ref[...], preferred_element_type=jnp.float32)
         + fb2_ref[...])

    xb = x_ref[0]
    xp = _packed(xb)
    xj = jnp.where(mask, _patt(xp), _patt(_rollp(xp)))
    h = jnp.where(valid, _tile4(xb) * (W * xj), 0.0)

    p1 = _ssp(jnp.dot(h, pw1_ref[...], preferred_element_type=jnp.float32)
              + pb1_ref[...])
    pair = (jnp.dot(p1, pw2_ref[...], preferred_element_type=jnp.float32)
            + pb2_ref[...])
    e1 = _ssp(jnp.dot(h, ew1_ref[...], preferred_element_type=jnp.float32)
              + eb1_ref[...])
    env = (jnp.dot(e1, ew2_ref[...], preferred_element_type=jnp.float32)
           + eb2_ref[...])

    em = jnp.where(valid, env, 0.0)
    s1 = jnp.sum(em.reshape(N_ATOMS, 32, PL), axis=1)
    p_env = (s1[:, 0:32] + s1[:, 32:64]
             + s1[:, 64:96] + s1[:, 96:128])

    pp = _packed(p_env)
    pj = jnp.where(mask, _patt(pp), _patt(_rollp(pp)))
    out_ref[0] = pair + pj + _tile4(p_env)

    hs = jnp.sum(h.reshape(N_ATOMS, 32, PL), axis=1)
    hsum = hs[:, 0:32] + hs[:, 32:64] + hs[:, 64:96] + hs[:, 96:128]
    v1 = _ssp(jnp.dot(hsum, ow1_ref[...], preferred_element_type=jnp.float32)
              + ob1_ref[...])
    v_ref[0] = (jnp.dot(v1, ow2_ref[...], preferred_element_type=jnp.float32)
                + ob2_ref[...])


@jax.jit
def kernel(x, f_ij, idx_j, neighbors, params):
    B = x.shape[0]
    del idx_j, neighbors

    fp = jnp.pad(f_ij, ((0, 0), (0, 0), (0, 1), (0, 0)))
    fp = fp.reshape(B, NROWS, PL)

    eye4 = jnp.eye(4, dtype=jnp.float32)

    def bd(name):
        W, b = params[name]
        return jnp.kron(eye4, W), jnp.tile(b.reshape(1, -1), (1, 4))

    fw1, fb1 = bd("filter1")
    fw2, fb2 = bd("filter2")
    pw1, pb1 = bd("pair1")
    pw2, pb2 = bd("pair2")
    ew1, eb1 = bd("env1")
    ew2, eb2 = bd("env2")
    ow1, ob1 = params["out1"][0], params["out1"][1].reshape(1, -1)
    ow2, ob2 = params["out2"][0], params["out2"][1].reshape(1, -1)

    def bs(shape, index_map):
        return pl.BlockSpec(shape, index_map)

    in_specs = [
        bs((1, NROWS, PL), lambda b: (b, 0, 0)),
        bs((1, N_ATOMS, N_FACTORS), lambda b: (b, 0, 0)),
    ]
    for a in [fw1, fb1, fw2, fb2, pw1, pb1, pw2, pb2,
              ew1, eb1, ew2, eb2, ow1, ob1, ow2, ob2]:
        in_specs.append(bs(a.shape, lambda b: (0, 0)))

    p_pack, v = pl.pallas_call(
        _body,
        grid=(B,),
        in_specs=in_specs,
        out_specs=[
            bs((1, NROWS, PL), lambda b: (b, 0, 0)),
            bs((1, N_ATOMS, N_FACTORS), lambda b: (b, 0, 0)),
        ],
        out_shape=[
            jax.ShapeDtypeStruct((B, NROWS, PL), jnp.float32),
            jax.ShapeDtypeStruct((B, N_ATOMS, N_FACTORS), jnp.float32),
        ],
    )(fp, x,
      fw1, fb1, fw2, fb2,
      pw1, pb1, pw2, pb2,
      ew1, eb1, ew2, eb2,
      ow1, ob1, ow2, ob2)

    p_ij = p_pack.reshape(B, N_ATOMS, NKP, N_FACTORS)[:, :, :NK, :]
    return (p_ij, v)

# --- scband reference (transcript-rebuilt; emitter-appended) ---
"""Pipeline reference for scband-sch-norb-interaction-89713276879266 (READ-ONLY COPY).

The authoritative reference and input builder live on the scoring server;
editing this copy changes nothing except your own understanding.
"""

import jax, jax.numpy as jnp
import numpy as np

N_ATOMS = 128
N_FACTORS = 32
N_RBF = 32
BATCH = 32


def _ssp(x):
    return jax.nn.softplus(x) - jnp.log(2.0)


def _dense_params(key, din, dout):
    k1, _ = jax.random.split(key)
    W = jax.random.normal(k1, (din, dout), dtype=jnp.float32) / np.sqrt(din)
    b = jnp.zeros((dout,), dtype=jnp.float32)
    return (W, b)


def _mlp2(x, p1, p2):
    h = _ssp(x @ p1[0] + p1[1])
    return h @ p2[0] + p2[1]


def setup_inputs(seed: int = 0):
    key = jax.random.key(seed)
    ks = jax.random.split(key, 12)
    x = jax.random.normal(ks[0], (BATCH, N_ATOMS, N_FACTORS), dtype=jnp.float32)
    f_ij = jax.random.uniform(ks[1], (BATCH, N_ATOMS, N_ATOMS - 1, N_RBF), dtype=jnp.float32)
    nbr = np.array([[j for j in range(N_ATOMS) if j != i] for i in range(N_ATOMS)], dtype=np.int64)
    neighbors = jnp.asarray(nbr)
    idx_j = jnp.asarray(nbr.reshape(-1))
    params = {
        "filter1": _dense_params(ks[2], N_RBF, N_FACTORS),
        "filter2": _dense_params(ks[3], N_FACTORS, N_FACTORS),
        "pair1": _dense_params(ks[4], N_FACTORS, N_FACTORS),
        "pair2": _dense_params(ks[5], N_FACTORS, N_FACTORS),
        "env1": _dense_params(ks[6], N_FACTORS, N_FACTORS),
        "env2": _dense_params(ks[7], N_FACTORS, N_FACTORS),
        "out1": _dense_params(ks[8], N_FACTORS, N_FACTORS),
        "out2": _dense_params(ks[9], N_FACTORS, N_FACTORS),
    }
    return {"x": x, "f_ij": f_ij, "idx_j": idx_j, "neighbors": neighbors, "params": params}


def reference(x, f_ij, idx_j, neighbors, params):
    B = x.shape[0]
    # filter network on rbf expansion
    W = _mlp2(f_ij, params["filter1"], params["filter2"])  # [B, N, N-1, F]
    # gather neighbor features: torch.gather(x, 1, idx_j...) -> take along atom axis
    xj = jnp.take(x, idx_j, axis=1).reshape(B, N_ATOMS, N_ATOMS - 1, N_FACTORS)
    # h_ij = einsum('nki,nkli->nkli', x, W * xj)
    h_ij = x[:, :, None, :] * (W * xj)
    p_ij_pair = _mlp2(h_ij, params["pair1"], params["pair2"])
    p_ij_env = _mlp2(h_ij, params["env1"], params["env2"])
    p_i_env = jnp.sum(p_ij_env, axis=2, keepdims=True)  # [B, N, 1, F]
    # torch.gather(p_i_env.expand(...), 1, nbh) == index p_i_env by neighbor ids
    p_j_env = jnp.take(p_i_env[:, :, 0, :], neighbors, axis=1)  # [B, N, N-1, F]
    p_ij = p_ij_pair + p_j_env + p_i_env
    v = _mlp2(jnp.sum(h_ij, axis=2), params["out1"], params["out2"])
    return (p_ij, v)

if __name__ == "__main__":
    import jax
    _d = setup_inputs()
    print(jax.jit(kernel)(*tuple(_d.values())))

</pallas_src>

<mosaic_0001>
module attributes {stable_mosaic.version = 14 : i64} {
  func.func @_body(%arg0: i32, %arg1: memref<1x4096x128xf32, #tpu.memory_space<vmem>>, %arg2: memref<1x128x32xf32, #tpu.memory_space<vmem>>, %arg3: memref<128x128xf32, #tpu.memory_space<vmem>>, %arg4: memref<1x128xf32, #tpu.memory_space<vmem>>, %arg5: memref<128x128xf32, #tpu.memory_space<vmem>>, %arg6: memref<1x128xf32, #tpu.memory_space<vmem>>, %arg7: memref<128x128xf32, #tpu.memory_space<vmem>>, %arg8: memref<1x128xf32, #tpu.memory_space<vmem>>, %arg9: memref<128x128xf32, #tpu.memory_space<vmem>>, %arg10: memref<1x128xf32, #tpu.memory_space<vmem>>, %arg11: memref<128x128xf32, #tpu.memory_space<vmem>>, %arg12: memref<1x128xf32, #tpu.memory_space<vmem>>, %arg13: memref<128x128xf32, #tpu.memory_space<vmem>>, %arg14: memref<1x128xf32, #tpu.memory_space<vmem>>, %arg15: memref<32x32xf32, #tpu.memory_space<vmem>>, %arg16: memref<1x32xf32, #tpu.memory_space<vmem>>, %arg17: memref<32x32xf32, #tpu.memory_space<vmem>>, %arg18: memref<1x32xf32, #tpu.memory_space<vmem>>, %arg19: memref<1x4096x128xf32, #tpu.memory_space<vmem>>, %arg20: memref<1x128x32xf32, #tpu.memory_space<vmem>>) attributes {dimension_semantics = [#tpu.dimension_semantics<arbitrary>], iteration_bounds = array<i64: 32>, scalar_prefetch = 0 : i64, scratch_operands = 0 : i64, tpu.core_type = #tpu.core_type<tc>, window_params = [{transform_indices = @transform_0, window_bounds = array<i64: 1, 4096, 128>}, {transform_indices = @transform_1, window_bounds = array<i64: 1, 128, 32>}, {pipeline_mode = #tpu.pipeline_mode<synchronous>, transform_indices = @transform_2, window_bounds = array<i64: 128, 128>}, {pipeline_mode = #tpu.pipeline_mode<synchronous>, transform_indices = @transform_3, window_bounds = array<i64: 1, 128>}, {pipeline_mode = #tpu.pipeline_mode<synchronous>, transform_indices = @transform_4, window_bounds = array<i64: 128, 128>}, {pipeline_mode = #tpu.pipeline_mode<synchronous>, transform_indices = @transform_5, window_bounds = array<i64: 1, 128>}, {pipeline_mode = #tpu.pipeline_mode<synchronous>, transform_indices = @transform_6, window_bounds = array<i64: 128, 128>}, {pipeline_mode = #tpu.pipeline_mode<synchronous>, transform_indices = @transform_7, window_bounds = array<i64: 1, 128>}, {pipeline_mode = #tpu.pipeline_mode<synchronous>, transform_indices = @transform_8, window_bounds = array<i64: 128, 128>}, {pipeline_mode = #tpu.pipeline_mode<synchronous>, transform_indices = @transform_9, window_bounds = array<i64: 1, 128>}, {pipeline_mode = #tpu.pipeline_mode<synchronous>, transform_indices = @transform_10, window_bounds = array<i64: 128, 128>}, {pipeline_mode = #tpu.pipeline_mode<synchronous>, transform_indices = @transform_11, window_bounds = array<i64: 1, 128>}, {pipeline_mode = #tpu.pipeline_mode<synchronous>, transform_indices = @transform_12, window_bounds = array<i64: 128, 128>}, {pipeline_mode = #tpu.pipeline_mode<synchronous>, transform_indices = @transform_13, window_bounds = array<i64: 1, 128>}, {pipeline_mode = #tpu.pipeline_mode<synchronous>, transform_indices = @transform_14, window_bounds = array<i64: 32, 32>}, {pipeline_mode = #tpu.pipeline_mode<synchronous>, transform_indices = @transform_15, window_bounds = array<i64: 1, 32>}, {pipeline_mode = #tpu.pipeline_mode<synchronous>, transform_indices = @transform_16, window_bounds = array<i64: 32, 32>}, {pipeline_mode = #tpu.pipeline_mode<synchronous>, transform_indices = @transform_17, window_bounds = array<i64: 1, 32>}, {transform_indices = @transform_18, window_bounds = array<i64: 1, 4096, 128>}, {transform_indices = @transform_19, window_bounds = array<i64: 1, 128, 32>}]} {
    %iota3A = tpu.iota {dimensions = array<i32: 0>} : vector<4096x128xi32>
    %iota3A_0 = tpu.iota {dimensions = array<i32: 1>} : vector<4096x128xi32>
    %and3A = arith.constant 31 : i32
    %and3A_1 = vector.broadcast %and3A : i32 to vector<4096x128xi32>
    %and3A_2 = arith.andi %iota3A, %and3A_1 : vector<4096x128xi32>
    %mul3A = arith.constant 4 : i32
    %mul3A_3 = vector.broadcast %mul3A : i32 to vector<4096x128xi32>
    %mul3A_4 = arith.muli %mul3A_3, %and3A_2 : vector<4096x128xi32>
    %shift_right_arithmetic3A = arith.constant 5 : i32
    %shift_right_arithmetic3A_5 = vector.broadcast %shift_right_arithmetic3A : i32 to vector<4096x128xi32>
    %shift_right_arithmetic3A_6 = arith.shrsi %iota3A_0, %shift_right_arithmetic3A_5 : vector<4096x128xi32>
    %add3A = arith.addi %mul3A_4, %shift_right_arithmetic3A_6 : vector<4096x128xi32>
    %shift_right_arithmetic3A_7 = arith.constant 5 : i32
    %shift_right_arithmetic3A_8 = vector.broadcast %shift_right_arithmetic3A_7 : i32 to vector<4096x128xi32>
    %shift_right_arithmetic3A_9 = arith.shrsi %iota3A, %shift_right_arithmetic3A_8 : vector<4096x128xi32>
    %lt3A = arith.cmpi slt, %add3A, %shift_right_arithmetic3A_9 : vector<4096x128xi32>
    %lt3A_10 = arith.constant 127 : i32
    %lt3A_11 = vector.broadcast %lt3A_10 : i32 to vector<4096x128xi32>
    %lt3A_12 = arith.cmpi slt, %add3A, %lt3A_11 : vector<4096x128xi32>
    %get3A = arith.constant 0 : index
    %get3A_13 = arith.constant 0 : index
    %get3A_14 = arith.constant 0 : index
    %get3A_15 = vector.load %arg1[%get3A, %get3A_13, %get3A_14] : memref<1x4096x128xf32, #tpu.memory_space<vmem>>, vector<1x4096x128xf32>
    %get3A_16 = vector.shape_cast %get3A_15 : vector<1x4096x128xf32> to vector<4096x128xf32>
    %get3A_17 = arith.constant 0 : index
    %get3A_18 = arith.constant 0 : index
    %get3A_19 = vector.load %arg3[%get3A_17, %get3A_18] : memref<128x128xf32, #tpu.memory_space<vmem>>, vector<128x128xf32>
    %dot_general3A = arith.constant dense<0.000000e+00> : vector<4096x128xf32>
    %dot_general3A_20 = tpu.matmul %get3A_16, %get3A_19, %dot_general3A {dimension_numbers = #tpu.dot_dimension_numbers<[1], [0], [0], [1], [0, 0, 1, 1], [], []>, transpose_lhs_hint = false} : vector<4096x128xf32>, vector<128x128xf32>, vector<4096x128xf32> -> vector<4096x128xf32>
    %get3A_21 = arith.constant 0 : index
    %get3A_22 = arith.constant 0 : index
    %get3A_23 = vector.load %arg4[%get3A_21, %get3A_22] : memref<1x128xf32, #tpu.memory_space<vmem>>, vector<1x128xf32>
    %add3A_24 = vector.broadcast %get3A_23 : vector<1x128xf32> to vector<4096x128xf32>
    %add3A_25 = arith.addf %dot_general3A_20, %add3A_24 : vector<4096x128xf32>
    %custom_jvp_call3A = arith.constant 0.000000e+00 : f32
    %max3A = vector.broadcast %custom_jvp_call3A : f32 to vector<4096x128xf32>
    %max3A_26 = arith.maximumf %add3A_25, %max3A : vector<4096x128xf32>
    %sub3A = vector.broadcast %custom_jvp_call3A : f32 to vector<4096x128xf32>
    %sub3A_27 = arith.subf %add3A_25, %sub3A : vector<4096x128xf32>
    %ne3A = arith.cmpf one, %sub3A_27, %sub3A_27 : vector<4096x128xf32>
    %add3A_28 = vector.broadcast %custom_jvp_call3A : f32 to vector<4096x128xf32>
    %add3A_29 = arith.addf %add3A_25, %add3A_28 : vector<4096x128xf32>
    %abs3A = math.absf %sub3A_27 : vector<4096x128xf32>
    %neg3A = arith.constant 0.000000e+00 : f32
    %neg3A_30 = vector.broadcast %neg3A : f32 to vector<4096x128xf32>
    %neg3A_31 = arith.subf %neg3A_30, %abs3A : vector<4096x128xf32>
    %exp3A = math.exp %neg3A_31 : vector<4096x128xf32>
    %log1p3A = math.log1p %exp3A : vector<4096x128xf32>
    %add3A_32 = arith.addf %max3A_26, %log1p3A : vector<4096x128xf32>
    %select_n3A = arith.select %ne3A, %add3A_29, %add3A_32 : vector<4096x128xi1>, vector<4096x128xf32>
    %log3A = arith.constant 2.000000e+00 : f32
    %log3A_33 = math.log %log3A : f32
    %sub3A_34 = vector.broadcast %log3A_33 : f32 to vector<4096x128xf32>
    %sub3A_35 = arith.subf %select_n3A, %sub3A_34 : vector<4096x128xf32>
    %get3A_36 = arith.constant 0 : index
    %get3A_37 = arith.constant 0 : index
    %get3A_38 = vector.load %arg5[%get3A_36, %get3A_37] : memref<128x128xf32, #tpu.memory_space<vmem>>, vector<128x128xf32>
    %dot_general3A_39 = arith.constant dense<0.000000e+00> : vector<4096x128xf32>
    %dot_general3A_40 = tpu.matmul %sub3A_35, %get3A_38, %dot_general3A_39 {dimension_numbers = #tpu.dot_dimension_numbers<[1], [0], [0], [1], [0, 0, 1, 1], [], []>, transpose_lhs_hint = false} : vector<4096x128xf32>, vector<128x128xf32>, vector<4096x128xf32> -> vector<4096x128xf32>
    %get3A_41 = arith.constant 0 : index
    %get3A_42 = arith.constant 0 : index
    %get3A_43 = vector.load %arg6[%get3A_41, %get3A_42] : memref<1x128xf32, #tpu.memory_space<vmem>>, vector<1x128xf32>
    %add3A_44 = vector.broadcast %get3A_43 : vector<1x128xf32> to vector<4096x128xf32>
    %add3A_45 = arith.addf %dot_general3A_40, %add3A_44 : vector<4096x128xf32>
    %get3A_46 = arith.constant 0 : index
    %get3A_47 = arith.constant 0 : index
    %get3A_48 = arith.constant 0 : index
    %get3A_49 = vector.load %arg2[%get3A_46, %get3A_47, %get3A_48] : memref<1x128x32xf32, #tpu.memory_space<vmem>>, vector<1x128x32xf32>
    %get3A_50 = vector.shape_cast %get3A_49 : vector<1x128x32xf32> to vector<128x32xf32>
    %iota3A_51 = tpu.iota {dimensions = array<i32: 0>} : vector<32x128xi32>
    %iota3A_52 = tpu.iota {dimensions = array<i32: 1>} : vector<32x128xi32>
    %mul3A_53 = arith.constant 4 : i32
    %mul3A_54 = vector.broadcast %mul3A_53 : i32 to vector<32x128xi32>
    %mul3A_55 = arith.muli %mul3A_54, %iota3A_51 : vector<32x128xi32>
    %add3A_56 = arith.constant 0 : i32
    %add3A_57 = vector.broadcast %add3A_56 : i32 to vector<32x128xi32>
    %add3A_58 = arith.addi %mul3A_55, %add3A_57 : vector<32x128xi32>
    %eq3A = arith.cmpi eq, %iota3A_52, %add3A_58 : vector<32x128xi32>
    %convert_element_type3A = arith.extui %eq3A : vector<32x128xi1> to vector<32x128xi32>
    %convert_element_type3A_59 = arith.sitofp %convert_element_type3A : vector<32x128xi32> to vector<32x128xf32>
    %dot_general3A_60 = arith.constant dense<0.000000e+00> : vector<32x32xf32>
    %dot_general3A_61 = tpu.matmul %convert_element_type3A_59, %get3A_50, %dot_general3A_60 {dimension_numbers = #tpu.dot_dimension_numbers<[1], [0], [0], [1], [0, 0, 1, 1], [], []>, precision = #tpu.contract_precision<fp32>, transpose_lhs_hint = false} : vector<32x128xf32>, vector<128x32xf32>, vector<32x32xf32> -> vector<32x32xf32>
    %mul3A_62 = arith.constant 4 : i32
    %mul3A_63 = vector.broadcast %mul3A_62 : i32 to vector<32x128xi32>
    %mul3A_64 = arith.muli %mul3A_63, %iota3A_51 : vector<32x128xi32>
    %add3A_65 = arith.constant 1 : i32
    %add3A_66 = vector.broadcast %add3A_65 : i32 to vector<32x128xi32>
    %add3A_67 = arith.addi %mul3A_64, %add3A_66 : vector<32x128xi32>
    %eq3A_68 = arith.cmpi eq, %iota3A_52, %add3A_67 : vector<32x128xi32>
    %convert_element_type3A_69 = arith.extui %eq3A_68 : vector<32x128xi1> to vector<32x128xi32>
    %convert_element_type3A_70 = arith.sitofp %convert_element_type3A_69 : vector<32x128xi32> to vector<32x128xf32>
    %dot_general3A_71 = arith.constant dense<0.000000e+00> : vector<32x32xf32>
    %dot_general3A_72 = tpu.matmul %convert_element_type3A_70, %get3A_50, %dot_general3A_71 {dimension_numbers = #tpu.dot_dimension_numbers<[1], [0], [0], [1], [0, 0, 1, 1], [], []>, precision = #tpu.contract_precision<fp32>, transpose_lhs_hint = false} : vector<32x128xf32>, vector<128x32xf32>, vector<32x32xf32> -> vector<32x32xf32>
    %mul3A_73 = arith.constant 4 : i32
    %mul3A_74 = vector.broadcast %mul3A_73 : i32 to vector<32x128xi32>
    %mul3A_75 = arith.muli %mul3A_74, %iota3A_51 : vector<32x128xi32>
    %add3A_76 = arith.constant 2 : i32
    %add3A_77 = vector.broadcast %add3A_76 : i32 to vector<32x128xi32>
    %add3A_78 = arith.addi %mul3A_75, %add3A_77 : vector<32x128xi32>
    %eq3A_79 = arith.cmpi eq, %iota3A_52, %add3A_78 : vector<32x128xi32>
    %convert_element_type3A_80 = arith.extui %eq3A_79 : vector<32x128xi1> to vector<32x128xi32>
    %convert_element_type3A_81 = arith.sitofp %convert_element_type3A_80 : vector<32x128xi32> to vector<32x128xf32>
    %dot_general3A_82 = arith.constant dense<0.000000e+00> : vector<32x32xf32>
    %dot_general3A_83 = tpu.matmul %convert_element_type3A_81, %get3A_50, %dot_general3A_82 {dimension_numbers = #tpu.dot_dimension_numbers<[1], [0], [0], [1], [0, 0, 1, 1], [], []>, precision = #tpu.contract_precision<fp32>, transpose_lhs_hint = false} : vector<32x128xf32>, vector<128x32xf32>, vector<32x32xf32> -> vector<32x32xf32>
    %mul3A_84 = arith.constant 4 : i32
    %mul3A_85 = vector.broadcast %mul3A_84 : i32 to vector<32x128xi32>
    %mul3A_86 = arith.muli %mul3A_85, %iota3A_51 : vector<32x128xi32>
    %add3A_87 = arith.constant 3 : i32
    %add3A_88 = vector.broadcast %add3A_87 : i32 to vector<32x128xi32>
    %add3A_89 = arith.addi %mul3A_86, %add3A_88 : vector<32x128xi32>
    %eq3A_90 = arith.cmpi eq, %iota3A_52, %add3A_89 : vector<32x128xi32>
    %convert_element_type3A_91 = arith.extui %eq3A_90 : vector<32x128xi1> to vector<32x128xi32>
    %convert_element_type3A_92 = arith.sitofp %convert_element_type3A_91 : vector<32x128xi32> to vector<32x128xf32>
    %dot_general3A_93 = arith.constant dense<0.000000e+00> : vector<32x32xf32>
    %dot_general3A_94 = tpu.matmul %convert_element_type3A_92, %get3A_50, %dot_general3A_93 {dimension_numbers = #tpu.dot_dimension_numbers<[1], [0], [0], [1], [0, 0, 1, 1], [], []>, precision = #tpu.contract_precision<fp32>, transpose_lhs_hint = false} : vector<32x128xf32>, vector<128x32xf32>, vector<32x32xf32> -> vector<32x32xf32>
    %concatenate3A = tpu.concatenate %dot_general3A_61, %dot_general3A_72, %dot_general3A_83, %dot_general3A_94 in 1 : vector<32x32xf32>, vector<32x32xf32>, vector<32x32xf32>, vector<32x32xf32> -> vector<32x128xf32>
    %broadcast_in_dim3A = vector.shape_cast %concatenate3A : vector<32x128xf32> to vector<1x32x128xf32>
    %broadcast_in_dim3A_95 = vector.shape_cast %broadcast_in_dim3A : vector<1x32x128xf32> to vector<1x32x128xf32>
    %broadcast_in_dim3A_96 = vector.broadcast %broadcast_in_dim3A_95 : vector<1x32x128xf32> to vector<128x32x128xf32>
    %reshape3A = vector.shape_cast %broadcast_in_dim3A_96 : vector<128x32x128xf32> to vector<4096x128xf32>
    %slice3A = vector.extract_strided_slice %concatenate3A {offsets = [1, 0], sizes = [31, 32], strides = [1, 1]} : vector<32x128xf32> to vector<31x32xf32>
    %slice3A_97 = vector.extract_strided_slice %concatenate3A {offsets = [0, 0], sizes = [1, 32], strides = [1, 1]} : vector<32x128xf32> to vector<1x32xf32>
    %concatenate3A_98 = tpu.concatenate %slice3A, %slice3A_97 in 0 : vector<31x32xf32>, vector<1x32xf32> -> vector<32x32xf32>
    %slice3A_99 = vector.extract_strided_slice %concatenate3A {offsets = [0, 32], sizes = [32, 96], strides = [1, 1]} : vector<32x128xf32> to vector<32x96xf32>
    %concatenate3A_100 = tpu.concatenate %slice3A_99, %concatenate3A_98 in 1 : vector<32x96xf32>, vector<32x32xf32> -> vector<32x128xf32>
    %broadcast_in_dim3A_101 = vector.shape_cast %concatenate3A_100 : vector<32x128xf32> to vector<1x32x128xf32>
    %broadcast_in_dim3A_102 = vector.shape_cast %broadcast_in_dim3A_101 : vector<1x32x128xf32> to vector<1x32x128xf32>
    %broadcast_in_dim3A_103 = vector.broadcast %broadcast_in_dim3A_102 : vector<1x32x128xf32> to vector<128x32x128xf32>
    %reshape3A_104 = vector.shape_cast %broadcast_in_dim3A_103 : vector<128x32x128xf32> to vector<4096x128xf32>
    %select_n3A_105 = arith.select %lt3A, %reshape3A, %reshape3A_104 : vector<4096x128xi1>, vector<4096x128xf32>
    %concatenate3A_106 = tpu.concatenate %get3A_50, %get3A_50, %get3A_50, %get3A_50 in 1 : vector<128x32xf32>, vector<128x32xf32>, vector<128x32xf32>, vector<128x32xf32> -> vector<128x128xf32>
    %broadcast_in_dim3A_107 = vector.shape_cast %concatenate3A_106 : vector<128x128xf32> to vector<128x1x128xf32>
    %broadcast_in_dim3A_108 = vector.shape_cast %broadcast_in_dim3A_107 : vector<128x1x128xf32> to vector<128x1x128xf32>
    %broadcast_in_dim3A_109 = vector.broadcast %broadcast_in_dim3A_108 : vector<128x1x128xf32> to vector<128x32x128xf32>
    %reshape3A_110 = vector.shape_cast %broadcast_in_dim3A_109 : vector<128x32x128xf32> to vector<4096x128xf32>
    %mul3A_111 = arith.mulf %add3A_45, %select_n3A_105 : vector<4096x128xf32>
    %mul3A_112 = arith.mulf %reshape3A_110, %mul3A_111 : vector<4096x128xf32>
    %jit3A = arith.constant 0.000000e+00 : f32
    %broadcast_in_dim3A_113 = vector.broadcast %jit3A : f32 to vector<4096x128xf32>
    %select_n3A_114 = arith.select %lt3A_12, %mul3A_112, %broadcast_in_dim3A_113 : vector<4096x128xi1>, vector<4096x128xf32>
    %get3A_115 = arith.constant 0 : index
    %get3A_116 = arith.constant 0 : index
    %get3A_117 = vector.load %arg7[%get3A_115, %get3A_116] : memref<128x128xf32, #tpu.memory_space<vmem>>, vector<128x128xf32>
    %dot_general3A_118 = arith.constant dense<0.000000e+00> : vector<4096x128xf32>
    %dot_general3A_119 = tpu.matmul %select_n3A_114, %get3A_117, %dot_general3A_118 {dimension_numbers = #tpu.dot_dimension_numbers<[1], [0], [0], [1], [0, 0, 1, 1], [], []>, transpose_lhs_hint = false} : vector<4096x128xf32>, vector<128x128xf32>, vector<4096x128xf32> -> vector<4096x128xf32>
    %get3A_120 = arith.constant 0 : index
    %get3A_121 = arith.constant 0 : index
    %get3A_122 = vector.load %arg8[%get3A_120, %get3A_121] : memref<1x128xf32, #tpu.memory_space<vmem>>, vector<1x128xf32>
    %add3A_123 = vector.broadcast %get3A_122 : vector<1x128xf32> to vector<4096x128xf32>
    %add3A_124 = arith.addf %dot_general3A_119, %add3A_123 : vector<4096x128xf32>
    %custom_jvp_call3A_125 = arith.constant 0.000000e+00 : f32
    %max3A_126 = vector.broadcast %custom_jvp_call3A_125 : f32 to vector<4096x128xf32>
    %max3A_127 = arith.maximumf %add3A_124, %max3A_126 : vector<4096x128xf32>
    %sub3A_128 = vector.broadcast %custom_jvp_call3A_125 : f32 to vector<4096x128xf32>
    %sub3A_129 = arith.subf %add3A_124, %sub3A_128 : vector<4096x128xf32>
    %ne3A_130 = arith.cmpf one, %sub3A_129, %sub3A_129 : vector<4096x128xf32>
    %add3A_131 = vector.broadcast %custom_jvp_call3A_125 : f32 to vector<4096x128xf32>
    %add3A_132 = arith.addf %add3A_124, %add3A_131 : vector<4096x128xf32>
    %abs3A_133 = math.absf %sub3A_129 : vector<4096x128xf32>
    %neg3A_134 = arith.constant 0.000000e+00 : f32
    %neg3A_135 = vector.broadcast %neg3A_134 : f32 to vector<4096x128xf32>
    %neg3A_136 = arith.subf %neg3A_135, %abs3A_133 : vector<4096x128xf32>
    %exp3A_137 = math.exp %neg3A_136 : vector<4096x128xf32>
    %log1p3A_138 = math.log1p %exp3A_137 : vector<4096x128xf32>
    %add3A_139 = arith.addf %max3A_127, %log1p3A_138 : vector<4096x128xf32>
    %select_n3A_140 = arith.select %ne3A_130, %add3A_132, %add3A_139 : vector<4096x128xi1>, vector<4096x128xf32>
    %log3A_141 = arith.constant 2.000000e+00 : f32
    %log3A_142 = math.log %log3A_141 : f32
    %sub3A_143 = vector.broadcast %log3A_142 : f32 to vector<4096x128xf32>
    %sub3A_144 = arith.subf %select_n3A_140, %sub3A_143 : vector<4096x128xf32>
    %get3A_145 = arith.constant 0 : index
    %get3A_146 = arith.constant 0 : index
    %get3A_147 = vector.load %arg9[%get3A_145, %get3A_146] : memref<128x128xf32, #tpu.memory_space<vmem>>, vector<128x128xf32>
    %dot_general3A_148 = arith.constant dense<0.000000e+00> : vector<4096x128xf32>
    %dot_general3A_149 = tpu.matmul %sub3A_144, %get3A_147, %dot_general3A_148 {dimension_numbers = #tpu.dot_dimension_numbers<[1], [0], [0], [1], [0, 0, 1, 1], [], []>, transpose_lhs_hint = false} : vector<4096x128xf32>, vector<128x128xf32>, vector<4096x128xf32> -> vector<4096x128xf32>
    %get3A_150 = arith.constant 0 : index
    %get3A_151 = arith.constant 0 : index
    %get3A_152 = vector.load %arg10[%get3A_150, %get3A_151] : memref<1x128xf32, #tpu.memory_space<vmem>>, vector<1x128xf32>
    %add3A_153 = vector.broadcast %get3A_152 : vector<1x128xf32> to vector<4096x128xf32>
    %add3A_154 = arith.addf %dot_general3A_149, %add3A_153 : vector<4096x128xf32>
    %get3A_155 = arith.constant 0 : index
    %get3A_156 = arith.constant 0 : index
    %get3A_157 = vector.load %arg11[%get3A_155, %get3A_156] : memref<128x128xf32, #tpu.memory_space<vmem>>, vector<128x128xf32>
    %dot_general3A_158 = arith.constant dense<0.000000e+00> : vector<4096x128xf32>
    %dot_general3A_159 = tpu.matmul %select_n3A_114, %get3A_157, %dot_general3A_158 {dimension_numbers = #tpu.dot_dimension_numbers<[1], [0], [0], [1], [0, 0, 1, 1], [], []>, transpose_lhs_hint = false} : vector<4096x128xf32>, vector<128x128xf32>, vector<4096x128xf32> -> vector<4096x128xf32>
    %get3A_160 = arith.constant 0 : index
    %get3A_161 = arith.constant 0 : index
    %get3A_162 = vector.load %arg12[%get3A_160, %get3A_161] : memref<1x128xf32, #tpu.memory_space<vmem>>, vector<1x128xf32>
    %add3A_163 = vector.broadcast %get3A_162 : vector<1x128xf32> to vector<4096x128xf32>
    %add3A_164 = arith.addf %dot_general3A_159, %add3A_163 : vector<4096x128xf32>
    %custom_jvp_call3A_165 = arith.constant 0.000000e+00 : f32
    %max3A_166 = vector.broadcast %custom_jvp_call3A_165 : f32 to vector<4096x128xf32>
    %max3A_167 = arith.maximumf %add3A_164, %max3A_166 : vector<4096x128xf32>
    %sub3A_168 = vector.broadcast %custom_jvp_call3A_165 : f32 to vector<4096x128xf32>
    %sub3A_169 = arith.subf %add3A_164, %sub3A_168 : vector<4096x128xf32>
    %ne3A_170 = arith.cmpf one, %sub3A_169, %sub3A_169 : vector<4096x128xf32>
    %add3A_171 = vector.broadcast %custom_jvp_call3A_165 : f32 to vector<4096x128xf32>
    %add3A_172 = arith.addf %add3A_164, %add3A_171 : vector<4096x128xf32>
    %abs3A_173 = math.absf %sub3A_169 : vector<4096x128xf32>
    %neg3A_174 = arith.constant 0.000000e+00 : f32
    %neg3A_175 = vector.broadcast %neg3A_174 : f32 to vector<4096x128xf32>
    %neg3A_176 = arith.subf %neg3A_175, %abs3A_173 : vector<4096x128xf32>
    %exp3A_177 = math.exp %neg3A_176 : vector<4096x128xf32>
    %log1p3A_178 = math.log1p %exp3A_177 : vector<4096x128xf32>
    %add3A_179 = arith.addf %max3A_167, %log1p3A_178 : vector<4096x128xf32>
    %select_n3A_180 = arith.select %ne3A_170, %add3A_172, %add3A_179 : vector<4096x128xi1>, vector<4096x128xf32>
    %log3A_181 = arith.constant 2.000000e+00 : f32
    %log3A_182 = math.log %log3A_181 : f32
    %sub3A_183 = vector.broadcast %log3A_182 : f32 to vector<4096x128xf32>
    %sub3A_184 = arith.subf %select_n3A_180, %sub3A_183 : vector<4096x128xf32>
    %get3A_185 = arith.constant 0 : index
    %get3A_186 = arith.constant 0 : index
    %get3A_187 = vector.load %arg13[%get3A_185, %get3A_186] : memref<128x128xf32, #tpu.memory_space<vmem>>, vector<128x128xf32>
    %dot_general3A_188 = arith.constant dense<0.000000e+00> : vector<4096x128xf32>
    %dot_general3A_189 = tpu.matmul %sub3A_184, %get3A_187, %dot_general3A_188 {dimension_numbers = #tpu.dot_dimension_numbers<[1], [0], [0], [1], [0, 0, 1, 1], [], []>, transpose_lhs_hint = false} : vector<4096x128xf32>, vector<128x128xf32>, vector<4096x128xf32> -> vector<4096x128xf32>
    %get3A_190 = arith.constant 0 : index
    %get3A_191 = arith.constant 0 : index
    %get3A_192 = vector.load %arg14[%get3A_190, %get3A_191] : memref<1x128xf32, #tpu.memory_space<vmem>>, vector<1x128xf32>
    %add3A_193 = vector.broadcast %get3A_192 : vector<1x128xf32> to vector<4096x128xf32>
    %add3A_194 = arith.addf %dot_general3A_189, %add3A_193 : vector<4096x128xf32>
    %jit3A_195 = arith.constant 0.000000e+00 : f32
    %broadcast_in_dim3A_196 = vector.broadcast %jit3A_195 : f32 to vector<4096x128xf32>
    %select_n3A_197 = arith.select %lt3A_12, %add3A_194, %broadcast_in_dim3A_196 : vector<4096x128xi1>, vector<4096x128xf32>
    %reshape3A_198 = vector.shape_cast %select_n3A_197 : vector<4096x128xf32> to vector<128x32x128xf32>
    %reduce_sum3A = arith.constant dense<0.000000e+00> : vector<128x128xf32>
    %reduce_sum3A_199 = vector.multi_reduction <add>, %reshape3A_198, %reduce_sum3A [1] : vector<128x32x128xf32> to vector<128x128xf32>
    %slice3A_200 = vector.extract_strided_slice %reduce_sum3A_199 {offsets = [0, 0], sizes = [128, 32], strides = [1, 1]} : vector<128x128xf32> to vector<128x32xf32>
    %slice3A_201 = vector.extract_strided_slice %reduce_sum3A_199 {offsets = [0, 32], sizes = [128, 32], strides = [1, 1]} : vector<128x128xf32> to vector<128x32xf32>
    %add3A_202 = arith.addf %slice3A_200, %slice3A_201 : vector<128x32xf32>
    %slice3A_203 = vector.extract_strided_slice %reduce_sum3A_199 {offsets = [0, 64], sizes = [128, 32], strides = [1, 1]} : vector<128x128xf32> to vector<128x32xf32>
    %add3A_204 = arith.addf %add3A_202, %slice3A_203 : vector<128x32xf32>
    %slice3A_205 = vector.extract_strided_slice %reduce_sum3A_199 {offsets = [0, 96], sizes = [128, 32], strides = [1, 1]} : vector<128x128xf32> to vector<128x32xf32>
    %add3A_206 = arith.addf %add3A_204, %slice3A_205 : vector<128x32xf32>
    %iota3A_207 = tpu.iota {dimensions = array<i32: 0>} : vector<32x128xi32>
    %iota3A_208 = tpu.iota {dimensions = array<i32: 1>} : vector<32x128xi32>
    %mul3A_209 = arith.constant 4 : i32
    %mul3A_210 = vector.broadcast %mul3A_209 : i32 to vector<32x128xi32>
    %mul3A_211 = arith.muli %mul3A_210, %iota3A_207 : vector<32x128xi32>
    %add3A_212 = arith.constant 0 : i32
    %add3A_213 = vector.broadcast %add3A_212 : i32 to vector<32x128xi32>
    %add3A_214 = arith.addi %mul3A_211, %add3A_213 : vector<32x128xi32>
    %eq3A_215 = arith.cmpi eq, %iota3A_208, %add3A_214 : vector<32x128xi32>
    %convert_element_type3A_216 = arith.extui %eq3A_215 : vector<32x128xi1> to vector<32x128xi32>
    %convert_element_type3A_217 = arith.sitofp %convert_element_type3A_216 : vector<32x128xi32> to vector<32x128xf32>
    %dot_general3A_218 = arith.constant dense<0.000000e+00> : vector<32x32xf32>
    %dot_general3A_219 = tpu.matmul %convert_element_type3A_217, %add3A_206, %dot_general3A_218 {dimension_numbers = #tpu.dot_dimension_numbers<[1], [0], [0], [1], [0, 0, 1, 1], [], []>, precision = #tpu.contract_precision<fp32>, transpose_lhs_hint = false} : vector<32x128xf32>, vector<128x32xf32>, vector<32x32xf32> -> vector<32x32xf32>
    %mul3A_220 = arith.constant 4 : i32
    %mul3A_221 = vector.broadcast %mul3A_220 : i32 to vector<32x128xi32>
    %mul3A_222 = arith.muli %mul3A_221, %iota3A_207 : vector<32x128xi32>
    %add3A_223 = arith.constant 1 : i32
    %add3A_224 = vector.broadcast %add3A_223 : i32 to vector<32x128xi32>
    %add3A_225 = arith.addi %mul3A_222, %add3A_224 : vector<32x128xi32>
    %eq3A_226 = arith.cmpi eq, %iota3A_208, %add3A_225 : vector<32x128xi32>
    %convert_element_type3A_227 = arith.extui %eq3A_226 : vector<32x128xi1> to vector<32x128xi32>
    %convert_element_type3A_228 = arith.sitofp %convert_element_type3A_227 : vector<32x128xi32> to vector<32x128xf32>
    %dot_general3A_229 = arith.constant dense<0.000000e+00> : vector<32x32xf32>
    %dot_general3A_230 = tpu.matmul %convert_element_type3A_228, %add3A_206, %dot_general3A_229 {dimension_numbers = #tpu.dot_dimension_numbers<[1], [0], [0], [1], [0, 0, 1, 1], [], []>, precision = #tpu.contract_precision<fp32>, transpose_lhs_hint = false} : vector<32x128xf32>, vector<128x32xf32>, vector<32x32xf32> -> vector<32x32xf32>
    %mul3A_231 = arith.constant 4 : i32
    %mul3A_232 = vector.broadcast %mul3A_231 : i32 to vector<32x128xi32>
    %mul3A_233 = arith.muli %mul3A_232, %iota3A_207 : vector<32x128xi32>
    %add3A_234 = arith.constant 2 : i32
    %add3A_235 = vector.broadcast %add3A_234 : i32 to vector<32x128xi32>
    %add3A_236 = arith.addi %mul3A_233, %add3A_235 : vector<32x128xi32>
    %eq3A_237 = arith.cmpi eq, %iota3A_208, %add3A_236 : vector<32x128xi32>
    %convert_element_type3A_238 = arith.extui %eq3A_237 : vector<32x128xi1> to vector<32x128xi32>
    %convert_element_type3A_239 = arith.sitofp %convert_element_type3A_238 : vector<32x128xi32> to vector<32x128xf32>
    %dot_general3A_240 = arith.constant dense<0.000000e+00> : vector<32x32xf32>
    %dot_general3A_241 = tpu.matmul %convert_element_type3A_239, %add3A_206, %dot_general3A_240 {dimension_numbers = #tpu.dot_dimension_numbers<[1], [0], [0], [1], [0, 0, 1, 1], [], []>, precision = #tpu.contract_precision<fp32>, transpose_lhs_hint = false} : vector<32x128xf32>, vector<128x32xf32>, vector<32x32xf32> -> vector<32x32xf32>
    %mul3A_242 = arith.constant 4 : i32
    %mul3A_243 = vector.broadcast %mul3A_242 : i32 to vector<32x128xi32>
    %mul3A_244 = arith.muli %mul3A_243, %iota3A_207 : vector<32x128xi32>
    %add3A_245 = arith.constant 3 : i32
    %add3A_246 = vector.broadcast %add3A_245 : i32 to vector<32x128xi32>
    %add3A_247 = arith.addi %mul3A_244, %add3A_246 : vector<32x128xi32>
    %eq3A_248 = arith.cmpi eq, %iota3A_208, %add3A_247 : vector<32x128xi32>
    %convert_element_type3A_249 = arith.extui %eq3A_248 : vector<32x128xi1> to vector<32x128xi32>
    %convert_element_type3A_250 = arith.sitofp %convert_element_type3A_249 : vector<32x128xi32> to vector<32x128xf32>
    %dot_general3A_251 = arith.constant dense<0.000000e+00> : vector<32x32xf32>
    %dot_general3A_252 = tpu.matmul %convert_element_type3A_250, %add3A_206, %dot_general3A_251 {dimension_numbers = #tpu.dot_dimension_numbers<[1], [0], [0], [1], [0, 0, 1, 1], [], []>, precision = #tpu.contract_precision<fp32>, transpose_lhs_hint = false} : vector<32x128xf32>, vector<128x32xf32>, vector<32x32xf32> -> vector<32x32xf32>
    %concatenate3A_253 = tpu.concatenate %dot_general3A_219, %dot_general3A_230, %dot_general3A_241, %dot_general3A_252 in 1 : vector<32x32xf32>, vector<32x32xf32>, vector<32x32xf32>, vector<32x32xf32> -> vector<32x128xf32>
    %broadcast_in_dim3A_254 = vector.shape_cast %concatenate3A_253 : vector<32x128xf32> to vector<1x32x128xf32>
    %broadcast_in_dim3A_255 = vector.shape_cast %broadcast_in_dim3A_254 : vector<1x32x128xf32> to vector<1x32x128xf32>
    %broadcast_in_dim3A_256 = vector.broadcast %broadcast_in_dim3A_255 : vector<1x32x128xf32> to vector<128x32x128xf32>
    %reshape3A_257 = vector.shape_cast %broadcast_in_dim3A_256 : vector<128x32x128xf32> to vector<4096x128xf32>
    %slice3A_258 = vector.extract_strided_slice %concatenate3A_253 {offsets = [1, 0], sizes = [31, 32], strides = [1, 1]} : vector<32x128xf32> to vector<31x32xf32>
    %slice3A_259 = vector.extract_strided_slice %concatenate3A_253 {offsets = [0, 0], sizes = [1, 32], strides = [1, 1]} : vector<32x128xf32> to vector<1x32xf32>
    %concatenate3A_260 = tpu.concatenate %slice3A_258, %slice3A_259 in 0 : vector<31x32xf32>, vector<1x32xf32> -> vector<32x32xf32>
    %slice3A_261 = vector.extract_strided_slice %concatenate3A_253 {offsets = [0, 32], sizes = [32, 96], strides = [1, 1]} : vector<32x128xf32> to vector<32x96xf32>
    %concatenate3A_262 = tpu.concatenate %slice3A_261, %concatenate3A_260 in 1 : vector<32x96xf32>, vector<32x32xf32> -> vector<32x128xf32>
    %broadcast_in_dim3A_263 = vector.shape_cast %concatenate3A_262 : vector<32x128xf32> to vector<1x32x128xf32>
    %broadcast_in_dim3A_264 = vector.shape_cast %broadcast_in_dim3A_263 : vector<1x32x128xf32> to vector<1x32x128xf32>
    %broadcast_in_dim3A_265 = vector.broadcast %broadcast_in_dim3A_264 : vector<1x32x128xf32> to vector<128x32x128xf32>
    %reshape3A_266 = vector.shape_cast %broadcast_in_dim3A_265 : vector<128x32x128xf32> to vector<4096x128xf32>
    %select_n3A_267 = arith.select %lt3A, %reshape3A_257, %reshape3A_266 : vector<4096x128xi1>, vector<4096x128xf32>
    %add3A_268 = arith.addf %add3A_154, %select_n3A_267 : vector<4096x128xf32>
    %concatenate3A_269 = tpu.concatenate %add3A_206, %add3A_206, %add3A_206, %add3A_206 in 1 : vector<128x32xf32>, vector<128x32xf32>, vector<128x32xf32>, vector<128x32xf32> -> vector<128x128xf32>
    %broadcast_in_dim3A_270 = vector.shape_cast %concatenate3A_269 : vector<128x128xf32> to vector<128x1x128xf32>
    %broadcast_in_dim3A_271 = vector.shape_cast %broadcast_in_dim3A_270 : vector<128x1x128xf32> to vector<128x1x128xf32>
    %broadcast_in_dim3A_272 = vector.broadcast %broadcast_in_dim3A_271 : vector<128x1x128xf32> to vector<128x32x128xf32>
    %reshape3A_273 = vector.shape_cast %broadcast_in_dim3A_272 : vector<128x32x128xf32> to vector<4096x128xf32>
    %add3A_274 = arith.addf %add3A_268, %reshape3A_273 : vector<4096x128xf32>
    %swap3A = arith.constant 0 : index
    %swap3A_275 = arith.constant 0 : index
    %swap3A_276 = arith.constant 0 : index
    %swap3A_277 = vector.load %arg19[%swap3A, %swap3A_275, %swap3A_276] : memref<1x4096x128xf32, #tpu.memory_space<vmem>>, vector<1x4096x128xf32>
    %swap3A_278 = vector.shape_cast %swap3A_277 : vector<1x4096x128xf32> to vector<4096x128xf32>
    %swap3A_279 = vector.shape_cast %add3A_274 : vector<4096x128xf32> to vector<1x4096x128xf32>
    tpu.vector_store %arg19[%swap3A, %swap3A_275, %swap3A_276], %swap3A_279 {strides = array<i32>} : memref<1x4096x128xf32, #tpu.memory_space<vmem>>, vector<1x4096x128xf32>,
    %reshape3A_280 = vector.shape_cast %select_n3A_114 : vector<4096x128xf32> to vector<128x32x128xf32>
    %reduce_sum3A_281 = arith.constant dense<0.000000e+00> : vector<128x128xf32>
    %reduce_sum3A_282 = vector.multi_reduction <add>, %reshape3A_280, %reduce_sum3A_281 [1] : vector<128x32x128xf32> to vector<128x128xf32>
    %slice3A_283 = vector.extract_strided_slice %reduce_sum3A_282 {offsets = [0, 0], sizes = [128, 32], strides = [1, 1]} : vector<128x128xf32> to vector<128x32xf32>
    %slice3A_284 = vector.extract_strided_slice %reduce_sum3A_282 {offsets = [0, 32], sizes = [128, 32], strides = [1, 1]} : vector<128x128xf32> to vector<128x32xf32>
    %add3A_285 = arith.addf %slice3A_283, %slice3A_284 : vector<128x32xf32>
    %slice3A_286 = vector.extract_strided_slice %reduce_sum3A_282 {offsets = [0, 64], sizes = [128, 32], strides = [1, 1]} : vector<128x128xf32> to vector<128x32xf32>
    %add3A_287 = arith.addf %add3A_285, %slice3A_286 : vector<128x32xf32>
    %slice3A_288 = vector.extract_strided_slice %reduce_sum3A_282 {offsets = [0, 96], sizes = [128, 32], strides = [1, 1]} : vector<128x128xf32> to vector<128x32xf32>
    %add3A_289 = arith.addf %add3A_287, %slice3A_288 : vector<128x32xf32>
    %get3A_290 = arith.constant 0 : index
    %get3A_291 = arith.constant 0 : index
    %get3A_292 = vector.load %arg15[%get3A_290, %get3A_291] : memref<32x32xf32, #tpu.memory_space<vmem>>, vector<32x32xf32>
    %dot_general3A_293 = arith.constant dense<0.000000e+00> : vector<128x32xf32>
    %dot_general3A_294 = tpu.matmul %add3A_289, %get3A_292, %dot_general3A_293 {dimension_numbers = #tpu.dot_dimension_numbers<[1], [0], [0], [1], [0, 0, 1, 1], [], []>, transpose_lhs_hint = false} : vector<128x32xf32>, vector<32x32xf32>, vector<128x32xf32> -> vector<128x32xf32>
    %get3A_295 = arith.constant 0 : index
    %get3A_296 = arith.constant 0 : index
    %get3A_297 = vector.load %arg16[%get3A_295, %get3A_296] : memref<1x32xf32, #tpu.memory_space<vmem>>, vector<1x32xf32>
    %add3A_298 = vector.broadcast %get3A_297 : vector<1x32xf32> to vector<128x32xf32>
    %add3A_299 = arith.addf %dot_general3A_294, %add3A_298 : vector<128x32xf32>
    %custom_jvp_call3A_300 = arith.constant 0.000000e+00 : f32
    %max3A_301 = vector.broadcast %custom_jvp_call3A_300 : f32 to vector<128x32xf32>
    %max3A_302 = arith.maximumf %add3A_299, %max3A_301 : vector<128x32xf32>
    %sub3A_303 = vector.broadcast %custom_jvp_call3A_300 : f32 to vector<128x32xf32>
    %sub3A_304 = arith.subf %add3A_299, %sub3A_303 : vector<128x32xf32>
    %ne3A_305 = arith.cmpf one, %sub3A_304, %sub3A_304 : vector<128x32xf32>
    %add3A_306 = vector.broadcast %custom_jvp_call3A_300 : f32 to vector<128x32xf32>
    %add3A_307 = arith.addf %add3A_299, %add3A_306 : vector<128x32xf32>
    %abs3A_308 = math.absf %sub3A_304 : vector<128x32xf32>
    %neg3A_309 = arith.constant 0.000000e+00 : f32
    %neg3A_310 = vector.broadcast %neg3A_309 : f32 to vector<128x32xf32>
    %neg3A_311 = arith.subf %neg3A_310, %abs3A_308 : vector<128x32xf32>
    %exp3A_312 = math.exp %neg3A_311 : vector<128x32xf32>
    %log1p3A_313 = math.log1p %exp3A_312 : vector<128x32xf32>
    %add3A_314 = arith.addf %max3A_302, %log1p3A_313 : vector<128x32xf32>
    %select_n3A_315 = arith.select %ne3A_305, %add3A_307, %add3A_314 : vector<128x32xi1>, vector<128x32xf32>
    %log3A_316 = arith.constant 2.000000e+00 : f32
    %log3A_317 = math.log %log3A_316 : f32
    %sub3A_318 = vector.broadcast %log3A_317 : f32 to vector<128x32xf32>
    %sub3A_319 = arith.subf %select_n3A_315, %sub3A_318 : vector<128x32xf32>
    %get3A_320 = arith.constant 0 : index
    %get3A_321 = arith.constant 0 : index
    %get3A_322 = vector.load %arg17[%get3A_320, %get3A_321] : memref<32x32xf32, #tpu.memory_space<vmem>>, vector<32x32xf32>
    %dot_general3A_323 = arith.constant dense<0.000000e+00> : vector<128x32xf32>
    %dot_general3A_324 = tpu.matmul %sub3A_319, %get3A_322, %dot_general3A_323 {dimension_numbers = #tpu.dot_dimension_numbers<[1], [0], [0], [1], [0, 0, 1, 1], [], []>, transpose_lhs_hint = false} : vector<128x32xf32>, vector<32x32xf32>, vector<128x32xf32> -> vector<128x32xf32>
    %get3A_325 = arith.constant 0 : index
    %get3A_326 = arith.constant 0 : index
    %get3A_327 = vector.load %arg18[%get3A_325, %get3A_326] : memref<1x32xf32, #tpu.memory_space<vmem>>, vector<1x32xf32>
    %add3A_328 = vector.broadcast %get3A_327 : vector<1x32xf32> to vector<128x32xf32>
    %add3A_329 = arith.addf %dot_general3A_324, %add3A_328 : vector<128x32xf32>
    %swap3A_330 = arith.constant 0 : index
    %swap3A_331 = arith.constant 0 : index
    %swap3A_332 = arith.constant 0 : index
    %swap3A_333 = vector.load %arg20[%swap3A_330, %swap3A_331, %swap3A_332] : memref<1x128x32xf32, #tpu.memory_space<vmem>>, vector<1x128x32xf32>
    %swap3A_334 = vector.shape_cast %swap3A_333 : vector<1x128x32xf32> to vector<128x32xf32>
    %swap3A_335 = vector.shape_cast %add3A_329 : vector<128x32xf32> to vector<1x128x32xf32>
    tpu.vector_store %arg20[%swap3A_330, %swap3A_331, %swap3A_332], %swap3A_335 {strides = array<i32>} : memref<1x128x32xf32, #tpu.memory_space<vmem>>, vector<1x128x32xf32>,
    return
  }
  func.func @transform_0(%arg0: i32) -> (i32, i32, i32) {
    %c0_i32 = arith.constant 0 : i32
    %c0_i32_0 = arith.constant 0 : i32
    %c0_i32_1 = arith.constant 0 : i32
    return %arg0, %c0_i32, %c0_i32_0 : i32, i32, i32
  }
  func.func @transform_1(%arg0: i32) -> (i32, i32, i32) {
    %c0_i32 = arith.constant 0 : i32
    %c0_i32_0 = arith.constant 0 : i32
    %c0_i32_1 = arith.constant 0 : i32
    return %arg0, %c0_i32, %c0_i32_0 : i32, i32, i32
  }
  func.func @transform_2(%arg0: i32) -> (i32, i32) {
    %c0_i32 = arith.constant 0 : i32
    %c0_i32_0 = arith.constant 0 : i32
    %c0_i32_1 = arith.constant 0 : i32
    return %c0_i32, %c0_i32_0 : i32, i32
  }
  func.func @transform_3(%arg0: i32) -> (i32, i32) {
    %c0_i32 = arith.constant 0 : i32
    %c0_i32_0 = arith.constant 0 : i32
    %c0_i32_1 = arith.constant 0 : i32
    return %c0_i32, %c0_i32_0 : i32, i32
  }
  func.func @transform_4(%arg0: i32) -> (i32, i32) {
    %c0_i32 = arith.constant 0 : i32
    %c0_i32_0 = arith.constant 0 : i32
    %c0_i32_1 = arith.constant 0 : i32
    return %c0_i32, %c0_i32_0 : i32, i32
  }
  func.func @transform_5(%arg0: i32) -> (i32, i32) {
    %c0_i32 = arith.constant 0 : i32
    %c0_i32_0 = arith.constant 0 : i32
    %c0_i32_1 = arith.constant 0 : i32
    return %c0_i32, %c0_i32_0 : i32, i32
  }
  func.func @transform_6(%arg0: i32) -> (i32, i32) {
    %c0_i32 = arith.constant 0 : i32
    %c0_i32_0 = arith.constant 0 : i32
    %c0_i32_1 = arith.constant 0 : i32
    return %c0_i32, %c0_i32_0 : i32, i32
  }
  func.func @transform_7(%arg0: i32) -> (i32, i32) {
    %c0_i32 = arith.constant 0 : i32
    %c0_i32_0 = arith.constant 0 : i32
    %c0_i32_1 = arith.constant 0 : i32
    return %c0_i32, %c0_i32_0 : i32, i32
  }
  func.func @transform_8(%arg0: i32) -> (i32, i32) {
    %c0_i32 = arith.constant 0 : i32
    %c0_i32_0 = arith.constant 0 : i32
    %c0_i32_1 = arith.constant 0 : i32
    return %c0_i32, %c0_i32_0 : i32, i32
  }
  func.func @transform_9(%arg0: i32) -> (i32, i32) {
    %c0_i32 = arith.constant 0 : i32
    %c0_i32_0 = arith.constant 0 : i32
    %c0_i32_1 = arith.constant 0 : i32
    return %c0_i32, %c0_i32_0 : i32, i32
  }
  func.func @transform_10(%arg0: i32) -> (i32, i32) {
    %c0_i32 = arith.constant 0 : i32
    %c0_i32_0 = arith.constant 0 : i32
    %c0_i32_1 = arith.constant 0 : i32
    return %c0_i32, %c0_i32_0 : i32, i32
  }
  func.func @transform_11(%arg0: i32) -> (i32, i32) {
    %c0_i32 = arith.constant 0 : i32
    %c0_i32_0 = arith.constant 0 : i32
    %c0_i32_1 = arith.constant 0 : i32
    return %c0_i32, %c0_i32_0 : i32, i32
  }
  func.func @transform_12(%arg0: i32) -> (i32, i32) {
    %c0_i32 = arith.constant 0 : i32
    %c0_i32_0 = arith.constant 0 : i32
    %c0_i32_1 = arith.constant 0 : i32
    return %c0_i32, %c0_i32_0 : i32, i32
  }
  func.func @transform_13(%arg0: i32) -> (i32, i32) {
    %c0_i32 = arith.constant 0 : i32
    %c0_i32_0 = arith.constant 0 : i32
    %c0_i32_1 = arith.constant 0 : i32
    return %c0_i32, %c0_i32_0 : i32, i32
  }
  func.func @transform_14(%arg0: i32) -> (i32, i32) {
    %c0_i32 = arith.constant 0 : i32
    %c0_i32_0 = arith.constant 0 : i32
    %c0_i32_1 = arith.constant 0 : i32
    return %c0_i32, %c0_i32_0 : i32, i32
  }
  func.func @transform_15(%arg0: i32) -> (i32, i32) {
    %c0_i32 = arith.constant 0 : i32
    %c0_i32_0 = arith.constant 0 : i32
    %c0_i32_1 = arith.constant 0 : i32
    return %c0_i32, %c0_i32_0 : i32, i32
  }
  func.func @transform_16(%arg0: i32) -> (i32, i32) {
    %c0_i32 = arith.constant 0 : i32
    %c0_i32_0 = arith.constant 0 : i32
    %c0_i32_1 = arith.constant 0 : i32
    return %c0_i32, %c0_i32_0 : i32, i32
  }
  func.func @transform_17(%arg0: i32) -> (i32, i32) {
    %c0_i32 = arith.constant 0 : i32
    %c0_i32_0 = arith.constant 0 : i32
    %c0_i32_1 = arith.constant 0 : i32
    return %c0_i32, %c0_i32_0 : i32, i32
  }
  func.func @transform_18(%arg0: i32) -> (i32, i32, i32) {
    %c0_i32 = arith.constant 0 : i32
    %c0_i32_0 = arith.constant 0 : i32
    %c0_i32_1 = arith.constant 0 : i32
    return %arg0, %c0_i32, %c0_i32_0 : i32, i32, i32
  }
  func.func @transform_19(%arg0: i32) -> (i32, i32, i32) {
    %c0_i32 = arith.constant 0 : i32
    %c0_i32_0 = arith.constant 0 : i32
    %c0_i32_1 = arith.constant 0 : i32
    return %arg0, %c0_i32, %c0_i32_0 : i32, i32, i32
  }
}

</mosaic_0001>

<sc_bundles>
// kernel: sparse-core-data-format-call.1.cloned.1.call-start
scs
called_computation.1_lowered:
.L_overlay_start_0:
0x0: {  	s2 =	sld [smem:$0x3FD9]  }
0x1: {  	s3 =	sld [smem:$0x3FFE];
	_ =	sdelay $0x1  }
0x2: {  	s1 =	srdreg.scid  }
0x3: {  	s0 =	sand.u32 $0x1, s1  }
0x4: {  	s18 =	sshll.u32 s0, $0xA;
	s2 =	sadd.s32 s3, s2  }
0x5: {  	s2 =	sadd.s32 s2, s18  }
0x6: {  	[smem:$0x3FB6] =	sst s2  }
0x7: {  	_ = 	snop  }
0x8: {  	s2 =	sld [smem:$0x3FC8];
	(tm) =	ssettm $0x1  }
0x9: {  	s19 =	sld [smem:$0x3FFB];
	_ =	sdelay $0x3  }
0xa: {  	_ =	strace s19  }
0xb: {  	s3 =	sld [smem:$0x3FFC];
	_ =	sdelay $0x3  }
0xc: {  	_ =	strace s3  }
0xd: {  	s3 =	sld [smem:$0x3FFD];
	_ =	sdelay $0x3  }
0xe: {  	_ =	strace s3  }
0xf: {  	_ =	strace $0x8FFFFFFF  }
0x10: {  	s20 =	sld [smem:$0x3FDB];
	_ =	sdelay $0x1  }
0x11: {  	s4 =	simm.s32 $_scs_section_size  }
0x12: {  	s5 =	simm.s32 $_size__tile_overlayer_lowered;
	s6 =	simm.s32 $_tile_overlayer_lowered  }
0x13: {  	s23 =	simm.s32 $0x1BFF;
	s22 =	sshll.u32 s6, $0x1;
	s3 =	sadd.s32 s4, s20  }
0x14: {  	s7 =	simm.s32 $0x0;
	s21 =	sshll.u32 s5, $0x1;
	s5 =	sadd.s32 s22, s3  }
0x15: {  	[timem:s7], [sflag:s23] =	dma.local [hbm:s5], s21  }
0x16: {  	_ =	swait.ge [sflag:s23], s21  }
0x17: {  	s4 =	ssub.s32 $0x0, s21;
	[sflag:s23] =	ssyncset.done $0x0  }
0x18: {  	[sflag:s23] =	ssyncadd.s32 s4;
	_ =	sdelay $0x1  }
0x19: {  	s24 =	simm.s32 $0x1B8B  }
0x1a: {  	_ =	swait.ge [sflag:s24], $0x1  }
0x1b: {  	[sflag:s24] =	ssyncset.done $0x0  }
0x1c: {  	s26 =	simm.s32 $0x1B8E;
	s25 =	sld [smem:$0x3FFE];
	[sflag:s24] =	ssyncadd.s32 $0xFFFFFFFF  }
0x1d: {  	s27 =	simm.s32 $execute0_lowered;
	[smem:$0x3FD2] =	sst s26  }
0x1e: {  	s5 =	sshll.u32 s27, $0x1;
	_ =	strace $0x80000046;
	[dreg:$0x1] =	wrdreg $0xFFFFFFFF  }
0x1f: {  	s28 =	simm.s32 $_size_execute0_lowered;
	s3 =	sadd.s32 s3, s5;
	[dreg:$0x0] =	wrdreg $0x0  }
0x20: {  	s5 =	sshll.u32 s28, $0x1;
	[dreg:$0x2] =	wrdreg s3  }
0x21: {  	[dreg:$0x3] =	wrdreg s5  }
0x22: {  	[dreg:$0x4] =	wrdreg $0xC0  }
0x23: {  	_ =	task [dreg:s7], $0x5FFFF  }
0x24: {  	[dreg:$0x1] =	wrdreg $0xFFFFFFFF  }
0x25: {  	[dreg:$0x0] =	wrdreg $0x60  }
0x26: {  	[dreg:$0x2] =	wrdreg s2  }
0x27: {  	[dreg:$0x3] =	wrdreg s25  }
0x28: {  	[dreg:$0x4] =	wrdreg $0x9  }
0x29: {  	_ =	task.clear_ibuf [dreg:s7], $0x5FFFF;
	_ =	strace $0x90000046  }
0x2a: {  	s29 =	simm.s32 $0x9;
	_ =	strace $0x80000048  }
0x2b: {  	_ =	swait.ge [sflag:s29], $0x1  }
0x2c: {  	[sflag:s29] =	ssyncadd.s32 $0xFFFFFFFF  }
0x2d: {  	_ =	strace $0x90000048  }
0x2e: {  	_ =	sfence  }
0x2f: {  	s30 =	sld [smem:$0x0];
	_ =	sdelay $0x2  }
0x30: {  	s31 =	sshll.u32 s1, $0xD;
	s1 =	sshrl.u32 s1, $0x2  }
0x31: {  	s3 =	sand.u32 $0x4000, s31;
	s1 =	sadd.s32 s1, s30  }
0x32: {  	s0 =	sor.u32 s3, s0;
	s1 =	sshll.u32 s1, $0x11  }
0x33: {  	s0 =	sor.u32 s1, s0  }
0x34: {  	s0 =	sadd.s32 $0x8F2B, s0  }
0x35: {  	[sflag:s0] =	ssyncadd.remote.s32 $0x1  }
0x36: {  	_ =	sfence.sel $0xFFFF  }
0x37: {  	[dreg:$0x0] =	wrdreg $0xFFFFFFFF;
	(pc) =	sbr.abs _section_cstart, $3  }
0x38: {  	[dreg:$0x1] =	wrdreg $0xFFFFFFFF  }
0x39: {  	_ =	task.clear_ibuf [dreg:s7], $0x2FFFF;
	_ =	strace $0x9FFFFFFF  }
0x3a: {  	(tm) =	ssettm $0x7FFFFFFF  }
0x3b: {  	_ =	shalt  }
tec
execute0_lowered:
.L_overlay_start_1:
0x0: {  	(tag) =	ssettag $0x1  }
0x1: {  	s0 =	stileid.u32;
	s1 =	srdreg.scid  }
0x2: {  	s7 =	rddreg [dreg:$0x1];
	s6 =	simm.s32 $0x1;
	s8 =	simm.s32 $0x1F  }
0x3: {  	s31 =	simm.s32 $0x2;
	s14 =	simm.s32 $0x0;
	s9 =	simm.s32 $0x20  }
0x4: {  	s10 =	simm.s32 $0x4000;
	s1 =	sshll.u32 s1, $0x4;
	s2 =	sshll.u32 s0, $0x2  }
0x5: {  	s15 =	simm.s32 $0x0;
	s3 =	sand.u32 $0x10, s1;
	s1 =	sand.u32 $0x1C, s2  }
0x6: {  	s13 =	simm.s32 $0x0;
	s7 =	sadd.s32 $0x4C00, s7;
	s5 =	ssub.s32 $0x20, s1  }
0x7: {  	s2 =	rddreg [dreg:$0x0];
	s3 =	sor.u32 s0, s3;
	s30 =	sand.u32 $0x1C, s5  }
0x8: {  	s4 =	sshrl.u32 s3, $0x3;
	s5 =	sshrl.u32 s5, $0x5;
	p0 =	sne.s32 s30, $0x0  }
.Ltmp0:
0x9: {  	s6 =	simm.s32 @!p0 $0x0;
	p0 =	seq.s32 s4, $0x3;
	(pc) =	sbr.rel .LBB1_1-.Ltmp0, $4  }
0xa: {  	s3 =	rddreg [dreg:$0x2];
	s6 =	sadd.s32 s6, s5;
	s8 =	simm.s32 @!p0 $0x20  }
0xb: {  	_ =	strace $0x80000047;
	s5 =	simm.s32 $0x1;
	s6 =	smul.u32 s8, s6  }
0xc: {  	s12 =	smov.u32 s1;
	s11 =	smov.u32 s4;
	[sflag:s5] =	ssyncpa.u1 $0x0  }
0xd: {  	p0 =	por $0x0, $0x0;
	[sflag:s31] =	ssyncpa.u1 $0x0;
	s8 =	sadd.s32 $0x1, s6  }
.LBB1_7:
0xe: {  	s16 =	sadd.s32 $0x4, s11  }
0xf: {  	s14 =	sadd.s32 $0x20, s12;
	s18 =	smov.u32 s12;
	p2 =	sgt.s32 s16, $0x7E  }
0x10: {  	s18 =	smov.u32 @p2 s14  }
0x11: {  	s16 =	smov.u32 @p2 s4;
	p2 =	sgt.s32 s18, $0x1F  }
0x12: {  	s18 =	smov.u32 @p2 s1;
	p2 =	sne.s32 s13, s8  }
.Ltmp1:
0x13: {  	p1 =	slt.u32 s13, $0x2;
	(pc) =	sbr.rel @!p2 .LBB1_8-.Ltmp1, $4  }
0x14: {  	s17 =	simm.s32 @!p1 $0x2  }
0x15: {  	s15 =	smov.u32 s12;
	p0 =	por !p0, !p0;
	_ =	swait.ge @!p1 [sflag:s17], $0x4000  }
0x16: {  	s14 =	smov.u32 s11;
	[sflag:s17] =	ssyncset.done @!p1 $0x0;
	s11 =	smov.u32 s16  }
0x17: {  	s13 =	sadd.s32 $0x1, s13;
	[sflag:s17] =	ssyncadd.s32 @!p1 $0xFFFFC000;
	s12 =	smov.u32 s18  }
.LBB1_1:
0x18: {  	p1 =	sge.u32 s13, s6  }
0x19: {  	s17 =	smul.u32 @!p1 $0xFE00, s12  }
0x1a: {  	s31 =	sadd.s32 $0xFFFFFFFF, s13;
	s16 =	sxor.u32 @!p1 $0xFFFFFFFF, s13;
	s18 =	sshll.u32 @!p1 s11, $0x9  }
0x1b: {  	s19 =	simm.s32 @!p1 $0x7F000;
	s16 =	sshll.u32 @!p1 s16, $0xE;
	s17 =	sadd.s32 @!p1 s2, s17  }
0x1c: {  	s16 =	sand.u32 @!p1 $0x4000, s16;
	s17 =	sadd.s32 @!p1 s18, s17;
	s18 =	simm.s32 @!p1 $0x1000  }
0x1d: {  	[tilespmem:s16], [sflag:$0x1] =	stream.strided.gather @!p1 [hbm4b:s17+s18], $0x4000, s19, s18, $0x38;
	[tilespmem:$0x10400] =	vst v63  }
0x1e: {  	p1 =	sge.u32 s31, s6  }
.Ltmp2:
0x1f: {  	_ = 	snop;
	(pc) =	sbr.rel @p1 .LBB1_7-.Ltmp2, $1  }
0x20: {  	_ =	sdelay $0x3  }
0x21: {  	s17 =	simm.s32 $0x1;
	s18 =	sand.u32 $0x1, s13  }
0x22: {  	_ =	swait.ge [sflag:s5], $0x4000;
	s17 =	simm.s32 @!p0 $0x0;
	s19 =	smul.u32 $0x10800, s18  }
0x23: {  	[sflag:s5] =	ssyncset.done $0x0;
	s16 =	smul.u32 $0x10800, s17  }
0x24: {  	s17 =	sshll.u32 s17, $0xE;
	[sflag:s5] =	ssyncadd.s32 $0xFFFFC000  }
0x25: {  	s18 =	sor.u32 $0x40, s17;
	s31 =	sshrl.u32 s19, $0x2;
	s16 =	sshrl.u32 s16, $0x2  }
0x26: {  	s19 =	simm.s32 $0x0;
	s17 =	sor.u32 $0x8000, s31;
	s16 =	sor.u32 $0x8000, s16  }
.LBB1_3:
0x27: {  	v0 =	vld [tilespmem:s18+$0x30]  }
0x28: {  	v1 =	vld [tilespmem:s18+$0xFFFFFFD0]  }
0x29: {  	v5 =	vld [tilespmem:s18+$0xFFFFFFE0]  }
0x2a: {  	v6 =	vld [tilespmem:s18+$0xFFFFFFF0]  }
0x2b: {  	s20 =	sadd.s32 $0x0, s16;
	v2 =	vld [tilespmem:s18+$0x0]  }
0x2c: {  	v3 =	vld [tilespmem:s18+$0x10];
	[tilespmem:s20+$0xE70 ss:$0x21] =	vst.msk $0xffff, v0  }
0x2d: {  	v4 =	vld [tilespmem:s18+$0x20];
	[tilespmem:s20+$0x210 ss:$0x21] =	vst.msk $0xffff, v1  }
0x2e: {  	s21 =	sadd.s32 $0x80, s18;
	v0 =	vld [tilespmem:s18+$0xFFFFFFC0];
	[tilespmem:s20+$0x420 ss:$0x21] =	vst.msk $0xffff, v5  }
0x2f: {  	s22 =	simm.s32 $0x4;
	s23 =	simm.s32 $0x8;
	v1 =	vld [tilespmem:s21+$0x30];
	[tilespmem:s20+$0x630 ss:$0x21] =	vst.msk $0xffff, v6  }
.LBB1_4:
0x30: {  	p1 =	sne.s32 s23, $0x7C;
	v5 =	vld [tilespmem:s21+$0xFFFFFFD0];
	[tilespmem:s20+$0x840 ss:$0x21] =	vst.msk $0xffff, v2  }
0x31: {  	v6 =	vld [tilespmem:s21+$0xFFFFFFE0];
	[tilespmem:s20+$0xA50 ss:$0x21] =	vst.msk $0xffff, v3  }
0x32: {  	s24 =	sshra.s32 s22, $0x2;
	s22 =	smov.u32 s23;
	v7 =	vld [tilespmem:s21+$0xFFFFFFF0];
	[tilespmem:s20+$0xC60 ss:$0x21] =	vst.msk $0xffff, v4  }
.Ltmp3:
0x33: {  	v2 =	vld [tilespmem:s21+$0x0];
	[tilespmem:s20+$0x0 ss:$0x21] =	vst.msk $0xffff, v0;
	s20 =	sadd.s32 s24, s16;
	(pc) =	sbr.rel @p1 .LBB1_4-.Ltmp3, $4  }
0x34: {  	v3 =	vld [tilespmem:s21+$0x10];
	[tilespmem:s20+$0xE70 ss:$0x21] =	vst.msk $0xffff, v1  }
0x35: {  	[tilespmem:s20+$0x210 ss:$0x21] =	vst.msk $0xffff, v5;
	v4 =	vld [tilespmem:s21+$0x20]  }
0x36: {  	v0 =	vld [tilespmem:s21+$0xFFFFFFC0];
	[tilespmem:s20+$0x420 ss:$0x21] =	vst.msk $0xffff, v6;
	s21 =	sadd.s32 $0x80, s21  }
0x37: {  	s23 =	sadd.s32 $0x4, s23;
	v1 =	vld [tilespmem:s21+$0x30];
	[tilespmem:s20+$0x630 ss:$0x21] =	vst.msk $0xffff, v7  }
0x38: {  	v5 =	vld [tilespmem:s21+$0xFFFFFFD0];
	[tilespmem:s20+$0x840 ss:$0x21] =	vst.msk $0xffff, v2  }
0x39: {  	v58 =	vld [tilespmem:s21+$0xFFFFFFE0];
	[tilespmem:s20+$0xA50 ss:$0x21] =	vst.msk $0xffff, v3  }
0x3a: {  	s22 =	sshra.s32 s22, $0x2;
	v59 =	vld [tilespmem:s21+$0xFFFFFFF0];
	[tilespmem:s20+$0xC60 ss:$0x21] =	vst.msk $0xffff, v4  }
0x3b: {  	v60 =	vld [tilespmem:s21+$0x0];
	s22 =	sadd.s32 s22, s16;
	[tilespmem:s20+$0x0 ss:$0x21] =	vst.msk $0xffff, v0  }
0x3c: {  	v61 =	vld [tilespmem:s21+$0x10];
	[tilespmem:s22+$0xE70 ss:$0x21] =	vst.msk $0xffff, v1  }
0x3d: {  	v62 =	vld [tilespmem:s21+$0x20];
	s19 =	sadd.s32 $0x1, s19;
	[tilespmem:s22+$0x210 ss:$0x21] =	vst.msk $0xffff, v5  }
0x3e: {  	v63 =	vld [tilespmem:s21+$0xFFFFFFC0];
	p1 =	sne.s32 s19, $0x4;
	[tilespmem:s22+$0x420 ss:$0x21] =	vst.msk $0xffff, v58  }
.Ltmp4:
0x3f: {  	[tilespmem:s22+$0x630 ss:$0x21] =	vst.msk $0xffff, v59;
	(pc) =	sbr.rel @p1 .LBB1_3-.Ltmp4, $4  }
0x40: {  	[tilespmem:s22+$0x840 ss:$0x21] =	vst.msk $0xffff, v60  }
0x41: {  	[tilespmem:s22+$0xA50 ss:$0x21] =	vst.msk $0xffff, v61  }
0x42: {  	[tilespmem:s22+$0xC60 ss:$0x21] =	vst.msk $0xffff, v62  }
0x43: {  	s18 =	sadd.s32 $0x1000, s18;
	s16 =	sadd.s32 $0x1080, s16;
	[tilespmem:s22+$0x0 ss:$0x21] =	vst.msk $0xffff, v63  }
.Ltmp5:
0x44: {  	(pc) =	sbr.rel .LBB1_7-.Ltmp5, $4  }
0x45: {  	s15 =	sshll.u32 s15, $0x12;
	s14 =	sshll.u32 s14, $0x4  }
0x46: {  	s14 =	sand.u32 $0x7F0, s14;
	s15 =	sadd.s32 s7, s15  }
0x47: {  	s14 =	sadd.s32 s14, s15  }
0x48: {  	[hbm4b:s14+s9] =	stream.strided.scatter [tilespmem:s17], [sflag:$0x2], $0x4000, s10, s9, $0x10;
	[tilespmem:$0x10400] =	vst v63  }
.LBB1_8:
0x49: {  	_ =	sfence.sel $0x180000  }
0x4a: {  	s1 =	simm.s32 $0x1;
	[bflag:$0x0] =	sbarrier.arrive $0xFFFF  }
0x4b: {  	s31 =	simm.s32 $0x2;
	[sflag:s1] =	ssyncpa.u1 $0x1  }
0x4c: {  	[sflag:s31] =	ssyncpa.u1 $0x1  }
0x4d: {  	p0 =	sne.s32 s0, $0x0;
	_ =	strace $0x90000047  }
0x4e: {  	s0 =	sadd.s32 @!p0 $0x100000, s3;
	[bflag:$0x2] =	sbarrier.arrive $0xFFFF  }
0x4f: {  	[sflag:s0] =	ssyncadd.tile.s32 @!p0 $0x1;
	_ =	shalt  }
.Lfunc_end1:
_tile_overlayer_lowered:
.L_overlay_start_2:
0x50: {  	(tag) =	ssettag $0x2  }
0x51: {  	s0 =	rddreg [dreg:$0x0];
	s2 =	stileid.u32  }
0x52: {  	s1 =	rddreg [dreg:$0x1];
	p0 =	sne.s32 s2, $0x0  }
0x53: {  	s3 =	rddreg [dreg:$0x2];
	[bflag:$0x3] =	sbarrier.arrive $0xFFFF;
	s2 =	simm.s32 @!p0 $0x1C01  }
0x54: {  	[timem:s3], [sflag:s2] =	dma.local @!p0 [hbm:s0], s1  }
0x55: {  	s0 =	simm.s32 @!p0 $0x1  }
0x56: {  	_ =	swait.ge @!p0 [sflag:s0], s1  }
0x57: {  	s1 =	ssub.s32 @!p0 $0x0, s1;
	[sflag:s0] =	ssyncset.done @!p0 $0x0  }
0x58: {  	[sflag:s0] =	ssyncadd.s32 @!p0 s1  }
0x59: {  	[bflag:$0x3] =	sbarrier.arrive $0xFFFF  }
0x5a: {  	_ =	shalt  }

// kernel: sparse-core-data-format-call.cloned.1.call-start
scs
called_computation_lowered:
.L_overlay_start_0:
0x0: {  	s2 =	sld [smem:$0x3FD9]  }
0x1: {  	s3 =	sld [smem:$0x3FFE];
	_ =	sdelay $0x1  }
0x2: {  	s1 =	srdreg.scid  }
0x3: {  	s0 =	sand.u32 $0x1, s1  }
0x4: {  	s15 =	sshll.u32 s0, $0xA;
	s2 =	sadd.s32 s3, s2  }
0x5: {  	s2 =	sadd.s32 s2, s15  }
0x6: {  	[smem:$0x3FB6] =	sst s2  }
0x7: {  	_ = 	snop  }
0x8: {  	s2 =	sld [smem:$0x3FD0];
	_ =	sdelay $0x2  }
0x9: {  	s16 =	simm.s32 $0xA;
	s4 =	simm.s32 $0x10  }
0xa: {  	[smem:s4], [sflag:s16] =	dma.local [hbm:s2], $0x1  }
0xb: {  	_ =	swait.eq [sflag:s16], $0x1  }
0xc: {  	[sflag:s16] =	ssyncset.done $0x0  }
0xd: {  	[sflag:s16] =	ssyncadd.s32 $0xFFFFFFFF  }
0xe: {  	s17 =	sld [smem:$0x10];
	(tm) =	ssettm $0x1  }
0xf: {  	s18 =	sld [smem:$0x3FFB];
	_ =	sdelay $0x3  }
0x10: {  	_ =	strace s18  }
0x11: {  	s3 =	sld [smem:$0x3FFC];
	_ =	sdelay $0x3  }
0x12: {  	_ =	strace s3  }
0x13: {  	s3 =	sld [smem:$0x3FFD];
	_ =	sdelay $0x3  }
0x14: {  	_ =	strace s3  }
0x15: {  	_ =	strace $0x8FFFFFFF  }
0x16: {  	s19 =	sld [smem:$0x3FDB];
	_ =	sdelay $0x1  }
0x17: {  	s20 =	simm.s32 $_scs_section_size  }
0x18: {  	s5 =	simm.s32 $_size__tile_overlayer_lowered;
	s6 =	simm.s32 $_tile_overlayer_lowered  }
0x19: {  	s23 =	simm.s32 $0x1BFF;
	s22 =	sshll.u32 s6, $0x1;
	s3 =	sadd.s32 s20, s19  }
0x1a: {  	s7 =	simm.s32 $0x0;
	s21 =	sshll.u32 s5, $0x1;
	s5 =	sadd.s32 s22, s3  }
0x1b: {  	[timem:s7], [sflag:s23] =	dma.local [hbm:s5], s21  }
0x1c: {  	_ =	swait.ge [sflag:s23], s21  }
0x1d: {  	s4 =	ssub.s32 $0x0, s21;
	[sflag:s23] =	ssyncset.done $0x0  }
0x1e: {  	[sflag:s23] =	ssyncadd.s32 s4;
	_ =	sdelay $0x1  }
0x1f: {  	s24 =	simm.s32 $0x1B8B  }
0x20: {  	_ =	swait.ge [sflag:s24], $0x1  }
0x21: {  	[sflag:s24] =	ssyncset.done $0x0  }
0x22: {  	s26 =	simm.s32 $0x1B8E;
	s25 =	sld [smem:$0x3FFE];
	[sflag:s24] =	ssyncadd.s32 $0xFFFFFFFF  }
0x23: {  	s27 =	simm.s32 $execute0_lowered;
	[smem:$0x3FD2] =	sst s26  }
0x24: {  	s5 =	sshll.u32 s27, $0x1;
	_ =	strace $0x80000049;
	[dreg:$0x1] =	wrdreg $0xFFFFFFFF  }
0x25: {  	s28 =	simm.s32 $_size_execute0_lowered;
	s3 =	sadd.s32 s3, s5;
	[dreg:$0x0] =	wrdreg $0x0  }
0x26: {  	s5 =	sshll.u32 s28, $0x1;
	[dreg:$0x2] =	wrdreg s3  }
0x27: {  	[dreg:$0x3] =	wrdreg s5  }
0x28: {  	[dreg:$0x4] =	wrdreg $0xC0  }
0x29: {  	_ =	task [dreg:s7], $0x5FFFF  }
0x2a: {  	[dreg:$0x1] =	wrdreg $0xFFFFFFFF  }
0x2b: {  	[dreg:$0x0] =	wrdreg $0x60  }
0x2c: {  	[dreg:$0x2] =	wrdreg s25  }
0x2d: {  	[dreg:$0x3] =	wrdreg s17  }
0x2e: {  	[dreg:$0x4] =	wrdreg $0x9  }
0x2f: {  	_ =	task.clear_ibuf [dreg:s7], $0x5FFFF;
	_ =	strace $0x90000049  }
0x30: {  	s29 =	simm.s32 $0x9;
	_ =	strace $0x8000004B  }
0x31: {  	_ =	swait.ge [sflag:s29], $0x1  }
0x32: {  	[sflag:s29] =	ssyncadd.s32 $0xFFFFFFFF  }
0x33: {  	_ =	strace $0x9000004B  }
0x34: {  	_ =	sfence  }
0x35: {  	s30 =	sld [smem:$0x0];
	_ =	sdelay $0x2  }
0x36: {  	s31 =	sshll.u32 s1, $0xD;
	s1 =	sshrl.u32 s1, $0x2  }
0x37: {  	s3 =	sand.u32 $0x4000, s31;
	s1 =	sadd.s32 s1, s30  }
0x38: {  	s0 =	sor.u32 s3, s0;
	s1 =	sshll.u32 s1, $0x11  }
0x39: {  	s0 =	sor.u32 s1, s0  }
0x3a: {  	s0 =	sadd.s32 $0x8F2B, s0  }
0x3b: {  	[sflag:s0] =	ssyncadd.remote.s32 $0x1  }
0x3c: {  	_ =	sfence.sel $0xFFFF  }
0x3d: {  	[dreg:$0x0] =	wrdreg $0xFFFFFFFF;
	(pc) =	sbr.abs _section_cstart, $3  }
0x3e: {  	[dreg:$0x1] =	wrdreg $0xFFFFFFFF  }
0x3f: {  	_ =	task.clear_ibuf [dreg:s7], $0x2FFFF;
	_ =	strace $0x9FFFFFFF  }
0x40: {  	(tm) =	ssettm $0x7FFFFFFF  }
0x41: {  	_ =	shalt  }
tec
execute0_lowered:
.L_overlay_start_1:
0x0: {  	(tag) =	ssettag $0x1  }
0x1: {  	s0 =	stileid.u32  }
0x2: {  	s1 =	srdreg.scid;
	s7 =	rddreg [dreg:$0x0]  }
0x3: {  	s6 =	simm.s32 $0x1;
	s8 =	simm.s32 $0x1F;
	s31 =	simm.s32 $0x2  }
0x4: {  	s14 =	simm.s32 $0x0;
	s9 =	simm.s32 $0x7F000;
	s15 =	simm.s32 $0x0  }
0x5: {  	s16 =	simm.s32 $0x0;
	s1 =	sshll.u32 s1, $0x4;
	s2 =	sshll.u32 s0, $0x2  }
0x6: {  	s11 =	simm.s32 $0x0;
	s3 =	sand.u32 $0x10, s1;
	s1 =	sand.u32 $0x1C, s2  }
0x7: {  	s13 =	simm.s32 $0x0;
	s7 =	sadd.s32 $0x404C00, s7;
	s5 =	ssub.s32 $0x20, s1  }
0x8: {  	s2 =	rddreg [dreg:$0x2];
	s29 =	sor.u32 s0, s3;
	s30 =	sand.u32 $0x1C, s5  }
0x9: {  	s4 =	sshrl.u32 s29, $0x3;
	s5 =	sshrl.u32 s5, $0x5;
	p0 =	sne.s32 s30, $0x0  }
.Ltmp0:
0xa: {  	s6 =	simm.s32 @!p0 $0x0;
	p0 =	seq.s32 s4, $0x3;
	(pc) =	sbr.rel .LBB1_1-.Ltmp0, $4  }
0xb: {  	s3 =	rddreg [dreg:$0x1];
	s6 =	sadd.s32 s6, s5;
	s8 =	simm.s32 @!p0 $0x20  }
0xc: {  	_ =	strace $0x8000004A;
	s5 =	simm.s32 $0x1;
	s6 =	smul.u32 s8, s6  }
0xd: {  	s12 =	smov.u32 s1;
	s10 =	smov.u32 s4;
	[sflag:s5] =	ssyncpa.u1 $0x0  }
0xe: {  	p0 =	por $0x0, $0x0;
	[sflag:s31] =	ssyncpa.u1 $0x0;
	s8 =	sadd.s32 $0x1, s6  }
.LBB1_7:
0xf: {  	s17 =	sadd.s32 $0x4, s10  }
0x10: {  	s14 =	sadd.s32 $0x80, s11;
	s18 =	smov.u32 s11;
	p2 =	sgt.s32 s17, $0x7E  }
0x11: {  	s18 =	smov.u32 @p2 s14  }
0x12: {  	s20 =	smov.u32 s12;
	s14 =	sadd.s32 $0x20, s12;
	p3 =	sgt.s32 s18, $0x7F  }
0x13: {  	s20 =	smov.u32 @p3 s14  }
0x14: {  	s17 =	smov.u32 @p2 s4;
	p2 =	sgt.s32 s20, $0x1F  }
0x15: {  	p1 =	slt.u32 s13, $0x2;
	s20 =	smov.u32 @p2 s1;
	p2 =	sne.s32 s13, s8  }
.Ltmp1:
0x16: {  	s19 =	simm.s32 @!p1 $0x2;
	(pc) =	sbr.rel @!p2 .LBB1_8-.Ltmp1, $4  }
0x17: {  	s15 =	smov.u32 s11;
	s16 =	smov.u32 s12;
	_ =	swait.ge @!p1 [sflag:s19], $0x4000  }
0x18: {  	p0 =	por !p0, !p0;
	[sflag:s19] =	ssyncset.done @!p1 $0x0;
	s18 =	simm.s32 @p3 $0x0  }
0x19: {  	s14 =	smov.u32 s10;
	[sflag:s19] =	ssyncadd.s32 @!p1 $0xFFFFC000;
	s10 =	smov.u32 s17  }
0x1a: {  	s11 =	smov.u32 s18;
	s13 =	sadd.s32 $0x1, s13;
	s12 =	smov.u32 s20  }
.LBB1_1:
0x1b: {  	p1 =	sge.u32 s13, s6;
	s31 =	sadd.s32 $0xFFFFFFFF, s13  }
0x1c: {  	s17 =	sxor.u32 @!p1 $0xFFFFFFFF, s13;
	s18 =	sshll.u32 @!p1 s12, $0x12;
	s19 =	sshll.u32 @!p1 s11, $0xB  }
0x1d: {  	s20 =	sshll.u32 @!p1 s10, $0x4;
	s17 =	sshll.u32 @!p1 s17, $0xE;
	s18 =	sadd.s32 @!p1 s7, s18  }
0x1e: {  	s20 =	sand.u32 @!p1 $0x7F0, s20;
	s17 =	sand.u32 @!p1 $0x4000, s17;
	s18 =	sadd.s32 @!p1 s19, s18  }
0x1f: {  	s19 =	simm.s32 @!p1 $0x20;
	s18 =	sadd.s32 @!p1 s20, s18;
	s20 =	simm.s32 @!p1 $0x4000  }
0x20: {  	[tilespmem:s17], [sflag:$0x1] =	stream.strided.gather @!p1 [hbm4b:s18+s19], $0x4000, s20, s19, $0x38;
	[tilespmem:$0x10100] =	vst v63  }
0x21: {  	p1 =	sge.u32 s31, s6  }
.Ltmp2:
0x22: {  	_ = 	snop;
	(pc) =	sbr.rel @p1 .LBB1_7-.Ltmp2, $1  }
0x23: {  	_ =	sdelay $0x3  }
0x24: {  	s17 =	simm.s32 $0x1;
	s19 =	sand.u32 $0x1, s13  }
0x25: {  	_ =	swait.ge [sflag:s5], $0x4000;
	s17 =	simm.s32 @!p0 $0x0;
	s20 =	smul.u32 $0x10200, s19  }
0x26: {  	[sflag:s5] =	ssyncset.done $0x0;
	s18 =	smul.u32 $0x10200, s17  }
0x27: {  	s17 =	sshll.u32 s17, $0xE;
	[sflag:s5] =	ssyncadd.s32 $0xFFFFC000  }
0x28: {  	s19 =	sor.u32 $0x10, s17;
	s31 =	sshrl.u32 s20, $0x2;
	s18 =	sshrl.u32 s18, $0x2  }
0x29: {  	s20 =	simm.s32 $0x0;
	s17 =	sor.u32 $0x8000, s31;
	s18 =	sor.u32 $0x8000, s18  }
.LBB1_3:
0x2a: {  	v1 =	vld [tilespmem:s19+$0x0]  }
0x2b: {  	v0 =	vld [tilespmem:s19+$0xFFFFFFF0];
	_ =	sdelay $0x2  }
0x2c: {  	s23 =	sadd.s32 $0x0, s18  }
0x2d: {  	s21 =	simm.s32 $0x4;
	s22 =	sadd.s32 $0x20, s19;
	[tilespmem:s23+$0x810 ss:$0x81] =	vst.msk $0xffff, v1  }
.LBB1_4:
0x2e: {  	v1 =	vld [tilespmem:s22+$0x0];
	p1 =	sne.s32 s21, $0x1FC;
	[tilespmem:s23+$0x0 ss:$0x81] =	vst.msk $0xffff, v0;
	s23 =	smov.u32 s21;
	s21 =	sadd.s32 $0x4, s21  }
.Ltmp3:
0x2f: {  	v0 =	vld [tilespmem:s22+$0xFFFFFFF0];
	(pc) =	sbr.rel @p1 .LBB1_4-.Ltmp3, $4  }
0x30: {  	_ = 	snop  }
0x31: {  	s23 =	sshra.s32 s23, $0x2  }
0x32: {  	s23 =	sadd.s32 s23, s18  }
0x33: {  	s22 =	sadd.s32 $0x20, s22;
	[tilespmem:s23+$0x810 ss:$0x81] =	vst.msk $0xffff, v1  }
0x34: {  	s20 =	sadd.s32 $0x1, s20  }
0x35: {  	p1 =	sne.s32 s20, $0x4  }
.Ltmp4:
0x36: {  	_ = 	snop;
	(pc) =	sbr.rel @p1 .LBB1_3-.Ltmp4, $2  }
0x37: {  	_ =	sdelay $0x2  }
0x38: {  	[tilespmem:s23+$0x0 ss:$0x81] =	vst.msk $0xffff, v0;
	s18 =	sadd.s32 $0x1020, s18;
	s19 =	sadd.s32 $0x1000, s19  }
0x39: {  	s16 =	smul.u32 $0xFE00, s16  }
0x3a: {  	s18 =	sand.u32 $0x180, s15  }
.Ltmp5:
0x3b: {  	s14 =	sshll.u32 s14, $0x9;
	s16 =	sadd.s32 s3, s16;
	(pc) =	sbr.rel .LBB1_7-.Ltmp5, $4  }
0x3c: {  	s19 =	sshrl.u32 s15, $0x3;
	s30 =	sand.u32 $0x7, s15;
	s16 =	sadd.s32 s18, s16  }
0x3d: {  	s31 =	sand.u32 $0xF, s19;
	s15 =	sshll.u32 s30, $0x12;
	s14 =	sadd.s32 s14, s16  }
0x3e: {  	s15 =	sor.u32 $0x1000, s15;
	s14 =	sadd.s32 s31, s14  }
0x3f: {  	[hbm4b:s14+s15] =	stream.strided.scatter [tilespmem:s17], [sflag:$0x2], $0x4000, s9, s15, $0x20;
	[tilespmem:$0x10100] =	vst v63  }
.LBB1_8:
0x40: {  	_ =	sfence.sel $0x180000  }
0x41: {  	s1 =	simm.s32 $0x1;
	[bflag:$0x0] =	sbarrier.arrive $0xFFFF  }
0x42: {  	s31 =	simm.s32 $0x2;
	[sflag:s1] =	ssyncpa.u1 $0x1  }
0x43: {  	[sflag:s31] =	ssyncpa.u1 $0x1  }
0x44: {  	p0 =	sne.s32 s0, $0x0;
	_ =	strace $0x9000004A  }
0x45: {  	s0 =	sadd.s32 @!p0 $0x100000, s2;
	[bflag:$0x2] =	sbarrier.arrive $0xFFFF  }
0x46: {  	[sflag:s0] =	ssyncadd.tile.s32 @!p0 $0x1;
	_ =	shalt  }
.Lfunc_end1:
_tile_overlayer_lowered:
.L_overlay_start_2:
0x47: {  	(tag) =	ssettag $0x2  }
0x48: {  	s0 =	rddreg [dreg:$0x0];
	s2 =	stileid.u32  }
0x49: {  	s1 =	rddreg [dreg:$0x1];
	p0 =	sne.s32 s2, $0x0  }
0x4a: {  	s3 =	rddreg [dreg:$0x2];
	[bflag:$0x3] =	sbarrier.arrive $0xFFFF;
	s2 =	simm.s32 @!p0 $0x1C01  }
0x4b: {  	[timem:s3], [sflag:s2] =	dma.local @!p0 [hbm:s0], s1  }
0x4c: {  	s0 =	simm.s32 @!p0 $0x1  }
0x4d: {  	_ =	swait.ge @!p0 [sflag:s0], s1  }
0x4e: {  	s1 =	ssub.s32 @!p0 $0x0, s1;
	[sflag:s0] =	ssyncset.done @!p0 $0x0  }
0x4f: {  	[sflag:s0] =	ssyncadd.s32 @!p0 s1  }
0x50: {  	[bflag:$0x3] =	sbarrier.arrive $0xFFFF  }
0x51: {  	_ =	shalt  }

</sc_bundles>
